<compile_context>
chip_gen: v7x
topology: tpu7x:2x2x1
jax: 0.10.2.dev20260603
libtpu: 0.0.44.dev20260713+nightly
codegen_flags: <defaults>
</compile_context>

<pallas_src>
import functools

import jax
import jax.numpy as jnp
from jax import lax
from jax.experimental import pallas as pl
from jax.experimental.pallas import tpu as pltpu
from jax.experimental.pallas import tpu_sc as plsc

NUM_ROWS = 16384
SEQ = 50
DIM = 32
NC, NS = 2, 16
NW = NC * NS
R_PER_W = NUM_ROWS // NW
NBUF = 2
LANES = 16

_mesh = plsc.VectorSubcoreMesh(core_axis_name="c", subcore_axis_name="s")


@functools.partial(
    pl.kernel,
    mesh=_mesh,
    out_type=jax.ShapeDtypeStruct((SEQ, DIM, NUM_ROWS), jnp.float32),
    scratch_types=[
        pltpu.VMEM((SEQ, R_PER_W), jnp.int32),
        [pltpu.VMEM((R_PER_W, DIM), jnp.float32) for _ in range(NBUF)],
        [pltpu.VMEM((DIM, R_PER_W), jnp.float32) for _ in range(NBUF)],
        [pltpu.SemaphoreType.DMA for _ in range(NBUF)],
        [pltpu.SemaphoreType.DMA for _ in range(NBUF)],
    ],
    compiler_params=pltpu.CompilerParams(
        use_tc_tiling_on_sc=False, needs_layout_passes=False
    ),
)
def _gather_kernel(xt_hbm, table_hbm, out_hbm, idx_v, rows, planes, gsem, ssem):
    wid = lax.axis_index("s") * NC + lax.axis_index("c")
    r0 = wid * R_PER_W
    pltpu.sync_copy(xt_hbm.at[:, pl.ds(r0, R_PER_W)], idx_v)

    lane_iota = lax.iota(jnp.int32, LANES)
    _COL_IDS = [jnp.full((LANES,), d, jnp.int32) for d in range(DIM)]

    def gather_copy(c, b):
        return pltpu.make_async_copy(
            table_hbm.at[idx_v.at[c]], rows[b], gsem[b]
        )

    def store_copy(c, b):
        return pltpu.make_async_copy(
            planes[b], out_hbm.at[c, :, pl.ds(r0, R_PER_W)], ssem[b]
        )

    for b in range(NBUF):
        gather_copy(b, b).start()

    def col_body(cr, carry):
        for b in range(NBUF):
            c = cr * NBUF + b
            gather_copy(c, b).wait()

            @pl.when(c >= NBUF)
            def _():
                store_copy(c, b).wait()

            @plsc.parallel_loop(0, R_PER_W // LANES, unroll=2)
            def _(s):
                row_ids = s * LANES + lane_iota
                off = pl.multiple_of(s * LANES, LANES)
                for d0 in range(0, DIM, 8):
                    vs = [
                        plsc.load_gather(rows[b], [row_ids, _COL_IDS[d0 + k]])
                        for k in range(8)
                    ]
                    for k in range(8):
                        planes[b][d0 + k, pl.ds(off, LANES)] = vs[k]

            @pl.when(c + NBUF < SEQ)
            def _():
                gather_copy(c + NBUF, b).start()

            store_copy(c, b).start()

        return carry

    lax.fori_loop(0, SEQ // NBUF, col_body, 0)
    for b in range(NBUF):
        store_copy(SEQ - NBUF + b, b).wait()


def kernel(x, table):
    out = _gather_kernel(x.T, table)
    return out.transpose(2, 0, 1)

# --- scband reference (transcript-rebuilt; emitter-appended) ---
"""Pipeline reference for scband-casted-embedding-7988639170931 (READ-ONLY COPY).

The authoritative reference and input builder live on the scoring server;
editing this copy changes nothing except your own understanding.
"""

import jax, jax.numpy as jnp
import numpy as np

NUM_EMBEDDINGS = 1000000
EMBEDDING_DIM = 32
INIT_STD = 0.02

def setup_inputs(seed: int = 0) -> dict:
    key = jax.random.key(seed)
    k_idx, k_tab = jax.random.split(key)
    x = jax.random.randint(k_idx, (16384, 50), 0, NUM_EMBEDDINGS, dtype=jnp.int64 if jax.config.jax_enable_x64 else jnp.int32)
    table = jax.random.normal(k_tab, (NUM_EMBEDDINGS, EMBEDDING_DIM), dtype=jnp.float32) * INIT_STD
    return {"x": x, "table": table}

def reference(x, table):
    # CastedEmbedding: embedding lookup followed by cast to float32
    out = jnp.take(table, x, axis=0)
    return out.astype(jnp.float32)

if __name__ == "__main__":
    import jax
    _d = setup_inputs()
    print(jax.jit(kernel)(*tuple(_d.values())))

</pallas_src>

<mosaic_0001>
#map = affine_map<(d0, d1) -> (0, 0)>
#map1 = affine_map<(d0, d1) -> (0, 0, 0)>
module attributes {stable_mosaic.version = 14 : i64} {
  func.func @_gather_kernel(%arg0: i32, %arg1: i32, %arg2: memref<50x16384xi32, #tpu.memory_space<hbm>>, %arg3: memref<1000000x32xf32, #tpu.memory_space<hbm>>, %arg4: memref<50x32x16384xf32, #tpu.memory_space<hbm>>, %arg5: memref<50x512xi32, #tpu.memory_space<vmem>>, %arg6: memref<512x32xf32, #tpu.memory_space<vmem>>, %arg7: memref<512x32xf32, #tpu.memory_space<vmem>>, %arg8: memref<32x512xf32, #tpu.memory_space<vmem>>, %arg9: memref<32x512xf32, #tpu.memory_space<vmem>>, %arg10: memref<!tpu.dma_semaphore, #tpu.memory_space<semaphore_mem>>, %arg11: memref<!tpu.dma_semaphore, #tpu.memory_space<semaphore_mem>>, %arg12: memref<!tpu.dma_semaphore, #tpu.memory_space<semaphore_mem>>, %arg13: memref<!tpu.dma_semaphore, #tpu.memory_space<semaphore_mem>>) attributes {dimension_semantics = [#tpu.dimension_semantics<core_parallel>, #tpu.dimension_semantics<subcore_parallel>], iteration_bounds = array<i64: 2, 16>, scalar_prefetch = 0 : i64, scratch_operands = 9 : i64, tpu.core_type = #tpu.core_type<sc_vector_subcore>, window_params = [{transform_indices = #map}, {transform_indices = #map}, {transform_indices = #map1}]} {
    %mul3A = arith.constant 2 : i32
    %mul3A_0 = arith.muli %arg1, %mul3A : i32
    %add3A = arith.addi %mul3A_0, %arg0 : i32
    %mul3A_1 = arith.constant 512 : i32
    %mul3A_2 = arith.muli %add3A, %mul3A_1 : i32
    "tpu.region"() ({
      %run_scoped3A = tpu.sem_alloc : memref<!tpu.dma_semaphore, #tpu.memory_space<semaphore_mem>>
      %dma_start3A_97 = arith.constant 0 : i32
      %dma_start3A_98 = tpu.memref_slice %arg2[%dma_start3A_97, %mul3A_2] : memref<50x16384xi32, #tpu.memory_space<hbm>> -> memref<50x512xi32, #tpu.memory_space<hbm>>
      %dma_start3A_99 = arith.constant 0 : i32
      %dma_start3A_100 = tpu.memref_slice %arg2[%dma_start3A_99, %mul3A_2] : memref<50x16384xi32, #tpu.memory_space<hbm>> -> memref<50x512xi32, #tpu.memory_space<hbm>>
      tpu.enqueue_dma source(%dma_start3A_100 : memref<50x512xi32, #tpu.memory_space<hbm>>) target(%arg5 : memref<50x512xi32, #tpu.memory_space<vmem>>) target_semaphore(%run_scoped3A : memref<!tpu.dma_semaphore, #tpu.memory_space<semaphore_mem>>)
      %dma_wait3A_101 = arith.constant 0 : i32
      %dma_wait3A_102 = tpu.memref_slice %arg2[%dma_wait3A_101, %mul3A_2] : memref<50x16384xi32, #tpu.memory_space<hbm>> -> memref<50x512xi32, #tpu.memory_space<hbm>>
      %dma_wait3A_103 = arith.constant 0 : i32
      %dma_wait3A_104 = tpu.memref_slice %arg2[%dma_wait3A_103, %mul3A_2] : memref<50x16384xi32, #tpu.memory_space<hbm>> -> memref<50x512xi32, #tpu.memory_space<hbm>>
      tpu.wait_dma2 semaphore(%run_scoped3A : memref<!tpu.dma_semaphore, #tpu.memory_space<semaphore_mem>>) src(%dma_wait3A_104 : memref<50x512xi32, #tpu.memory_space<hbm>>) dst(%arg5 : memref<50x512xi32, #tpu.memory_space<vmem>>)
      tpu.yield
    }) : () -> ()
    %iota3A = tpu.iota {dimensions = array<i32: 0>} : vector<16xi32>
    %broadcast_in_dim3A = arith.constant 0 : i32
    %broadcast_in_dim3A_3 = vector.broadcast %broadcast_in_dim3A : i32 to vector<16xi32>
    %broadcast_in_dim3A_4 = arith.constant 1 : i32
    %broadcast_in_dim3A_5 = vector.broadcast %broadcast_in_dim3A_4 : i32 to vector<16xi32>
    %broadcast_in_dim3A_6 = arith.constant 2 : i32
    %broadcast_in_dim3A_7 = vector.broadcast %broadcast_in_dim3A_6 : i32 to vector<16xi32>
    %broadcast_in_dim3A_8 = arith.constant 3 : i32
    %broadcast_in_dim3A_9 = vector.broadcast %broadcast_in_dim3A_8 : i32 to vector<16xi32>
    %broadcast_in_dim3A_10 = arith.constant 4 : i32
    %broadcast_in_dim3A_11 = vector.broadcast %broadcast_in_dim3A_10 : i32 to vector<16xi32>
    %broadcast_in_dim3A_12 = arith.constant 5 : i32
    %broadcast_in_dim3A_13 = vector.broadcast %broadcast_in_dim3A_12 : i32 to vector<16xi32>
    %broadcast_in_dim3A_14 = arith.constant 6 : i32
    %broadcast_in_dim3A_15 = vector.broadcast %broadcast_in_dim3A_14 : i32 to vector<16xi32>
    %broadcast_in_dim3A_16 = arith.constant 7 : i32
    %broadcast_in_dim3A_17 = vector.broadcast %broadcast_in_dim3A_16 : i32 to vector<16xi32>
    %broadcast_in_dim3A_18 = arith.constant 8 : i32
    %broadcast_in_dim3A_19 = vector.broadcast %broadcast_in_dim3A_18 : i32 to vector<16xi32>
    %broadcast_in_dim3A_20 = arith.constant 9 : i32
    %broadcast_in_dim3A_21 = vector.broadcast %broadcast_in_dim3A_20 : i32 to vector<16xi32>
    %broadcast_in_dim3A_22 = arith.constant 10 : i32
    %broadcast_in_dim3A_23 = vector.broadcast %broadcast_in_dim3A_22 : i32 to vector<16xi32>
    %broadcast_in_dim3A_24 = arith.constant 11 : i32
    %broadcast_in_dim3A_25 = vector.broadcast %broadcast_in_dim3A_24 : i32 to vector<16xi32>
    %broadcast_in_dim3A_26 = arith.constant 12 : i32
    %broadcast_in_dim3A_27 = vector.broadcast %broadcast_in_dim3A_26 : i32 to vector<16xi32>
    %broadcast_in_dim3A_28 = arith.constant 13 : i32
    %broadcast_in_dim3A_29 = vector.broadcast %broadcast_in_dim3A_28 : i32 to vector<16xi32>
    %broadcast_in_dim3A_30 = arith.constant 14 : i32
    %broadcast_in_dim3A_31 = vector.broadcast %broadcast_in_dim3A_30 : i32 to vector<16xi32>
    %broadcast_in_dim3A_32 = arith.constant 15 : i32
    %broadcast_in_dim3A_33 = vector.broadcast %broadcast_in_dim3A_32 : i32 to vector<16xi32>
    %broadcast_in_dim3A_34 = arith.constant 16 : i32
    %broadcast_in_dim3A_35 = vector.broadcast %broadcast_in_dim3A_34 : i32 to vector<16xi32>
    %broadcast_in_dim3A_36 = arith.constant 17 : i32
    %broadcast_in_dim3A_37 = vector.broadcast %broadcast_in_dim3A_36 : i32 to vector<16xi32>
    %broadcast_in_dim3A_38 = arith.constant 18 : i32
    %broadcast_in_dim3A_39 = vector.broadcast %broadcast_in_dim3A_38 : i32 to vector<16xi32>
    %broadcast_in_dim3A_40 = arith.constant 19 : i32
    %broadcast_in_dim3A_41 = vector.broadcast %broadcast_in_dim3A_40 : i32 to vector<16xi32>
    %broadcast_in_dim3A_42 = arith.constant 20 : i32
    %broadcast_in_dim3A_43 = vector.broadcast %broadcast_in_dim3A_42 : i32 to vector<16xi32>
    %broadcast_in_dim3A_44 = arith.constant 21 : i32
    %broadcast_in_dim3A_45 = vector.broadcast %broadcast_in_dim3A_44 : i32 to vector<16xi32>
    %broadcast_in_dim3A_46 = arith.constant 22 : i32
    %broadcast_in_dim3A_47 = vector.broadcast %broadcast_in_dim3A_46 : i32 to vector<16xi32>
    %broadcast_in_dim3A_48 = arith.constant 23 : i32
    %broadcast_in_dim3A_49 = vector.broadcast %broadcast_in_dim3A_48 : i32 to vector<16xi32>
    %broadcast_in_dim3A_50 = arith.constant 24 : i32
    %broadcast_in_dim3A_51 = vector.broadcast %broadcast_in_dim3A_50 : i32 to vector<16xi32>
    %broadcast_in_dim3A_52 = arith.constant 25 : i32
    %broadcast_in_dim3A_53 = vector.broadcast %broadcast_in_dim3A_52 : i32 to vector<16xi32>
    %broadcast_in_dim3A_54 = arith.constant 26 : i32
    %broadcast_in_dim3A_55 = vector.broadcast %broadcast_in_dim3A_54 : i32 to vector<16xi32>
    %broadcast_in_dim3A_56 = arith.constant 27 : i32
    %broadcast_in_dim3A_57 = vector.broadcast %broadcast_in_dim3A_56 : i32 to vector<16xi32>
    %broadcast_in_dim3A_58 = arith.constant 28 : i32
    %broadcast_in_dim3A_59 = vector.broadcast %broadcast_in_dim3A_58 : i32 to vector<16xi32>
    %broadcast_in_dim3A_60 = arith.constant 29 : i32
    %broadcast_in_dim3A_61 = vector.broadcast %broadcast_in_dim3A_60 : i32 to vector<16xi32>
    %broadcast_in_dim3A_62 = arith.constant 30 : i32
    %broadcast_in_dim3A_63 = vector.broadcast %broadcast_in_dim3A_62 : i32 to vector<16xi32>
    %broadcast_in_dim3A_64 = arith.constant 31 : i32
    %broadcast_in_dim3A_65 = vector.broadcast %broadcast_in_dim3A_64 : i32 to vector<16xi32>
    %dma_start3A = arith.constant 0 : i32
    %dma_start3A_66 = arith.constant 0 : i32
    %dma_start3A_67 = tpu.memref_slice %arg5[%dma_start3A, %dma_start3A_66] : memref<50x512xi32, #tpu.memory_space<vmem>> -> memref<1x512xi32, #tpu.memory_space<vmem>>
    %dma_start3A_68 = tpu.memref_squeeze %dma_start3A_67 : memref<1x512xi32, #tpu.memory_space<vmem>> -> memref<512xi32, #tpu.memory_space<vmem>>
    %dma_start3A_69 = arith.constant 0 : i32
    %dma_start3A_70 = arith.constant 0 : i32
    %dma_start3A_71 = tpu.memref_slice %arg3[%dma_start3A_69, %dma_start3A_70] : memref<1000000x32xf32, #tpu.memory_space<hbm>> -> memref<1000000x32xf32, #tpu.memory_space<hbm>>
    tpu.enqueue_indirect_dma source(%dma_start3A_71 : memref<1000000x32xf32, #tpu.memory_space<hbm>>) target(%arg6 : memref<512x32xf32, #tpu.memory_space<vmem>>) offsets(%dma_start3A_68 : memref<512xi32, #tpu.memory_space<vmem>>) semaphore(%arg10 : memref<!tpu.dma_semaphore, #tpu.memory_space<semaphore_mem>>)
    %dma_start3A_72 = arith.constant 1 : i32
    %dma_start3A_73 = arith.constant 0 : i32
    %dma_start3A_74 = tpu.memref_slice %arg5[%dma_start3A_72, %dma_start3A_73] : memref<50x512xi32, #tpu.memory_space<vmem>> -> memref<1x512xi32, #tpu.memory_space<vmem>>
    %dma_start3A_75 = tpu.memref_squeeze %dma_start3A_74 : memref<1x512xi32, #tpu.memory_space<vmem>> -> memref<512xi32, #tpu.memory_space<vmem>>
    %dma_start3A_76 = arith.constant 0 : i32
    %dma_start3A_77 = arith.constant 0 : i32
    %dma_start3A_78 = tpu.memref_slice %arg3[%dma_start3A_76, %dma_start3A_77] : memref<1000000x32xf32, #tpu.memory_space<hbm>> -> memref<1000000x32xf32, #tpu.memory_space<hbm>>
    tpu.enqueue_indirect_dma source(%dma_start3A_78 : memref<1000000x32xf32, #tpu.memory_space<hbm>>) target(%arg7 : memref<512x32xf32, #tpu.memory_space<vmem>>) offsets(%dma_start3A_75 : memref<512xi32, #tpu.memory_space<vmem>>) semaphore(%arg11 : memref<!tpu.dma_semaphore, #tpu.memory_space<semaphore_mem>>)
    %scan3A = arith.constant 0 : i32
    %scan3A_79 = arith.constant 0 : i32
    %scan3A_80 = arith.constant 25 : i32
    %scan3A_81 = arith.addi %scan3A_79, %scan3A_80 : i32
    %scan3A_82 = arith.constant 1 : i32
    scf.for %scan3A_97 = %scan3A_79 to %scan3A_81 step %scan3A_82  : i32 {
      %mul3A_98 = arith.constant 2 : i32
      %mul3A_99 = arith.muli %scan3A_97, %mul3A_98 : i32
      %add3A_100 = arith.constant 0 : i32
      %add3A_101 = arith.addi %mul3A_99, %add3A_100 : i32
      %dma_wait3A_102 = arith.constant 0 : i32
      %dma_wait3A_103 = tpu.memref_slice %arg5[%add3A_101, %dma_wait3A_102] : memref<50x512xi32, #tpu.memory_space<vmem>> -> memref<1x512xi32, #tpu.memory_space<vmem>>
      %dma_wait3A_104 = tpu.memref_squeeze %dma_wait3A_103 : memref<1x512xi32, #tpu.memory_space<vmem>> -> memref<512xi32, #tpu.memory_space<vmem>>
      %dma_wait3A_105 = arith.constant 0 : i32
      %dma_wait3A_106 = arith.constant 0 : i32
      %dma_wait3A_107 = tpu.memref_slice %arg3[%dma_wait3A_105, %dma_wait3A_106] : memref<1000000x32xf32, #tpu.memory_space<hbm>> -> memref<1000000x32xf32, #tpu.memory_space<hbm>>
      tpu.wait_indirect_dma semaphore(%arg10 : memref<!tpu.dma_semaphore, #tpu.memory_space<semaphore_mem>>) src(%dma_wait3A_107 : memref<1000000x32xf32, #tpu.memory_space<hbm>>) dst(%arg6 : memref<512x32xf32, #tpu.memory_space<vmem>>)
      %ge3A = arith.constant 2 : i32
      %ge3A_108 = arith.cmpi sge, %add3A_101, %ge3A : i32
      %convert_element_type3A = arith.extui %ge3A_108 : i1 to i32
      %cond3A = arith.constant 0 : i32
      %cond3A_109 = arith.cmpi ne, %convert_element_type3A, %cond3A : i32
      scf.if %cond3A_109 {
        %dma_wait3A_155 = arith.constant 0 : i32
        %dma_wait3A_156 = tpu.memref_slice %arg4[%add3A_101, %dma_wait3A_155, %mul3A_2] : memref<50x32x16384xf32, #tpu.memory_space<hbm>> -> memref<1x32x512xf32, #tpu.memory_space<hbm>>
        %dma_wait3A_157 = tpu.memref_squeeze %dma_wait3A_156 : memref<1x32x512xf32, #tpu.memory_space<hbm>> -> memref<32x512xf32, #tpu.memory_space<hbm>>
        %dma_wait3A_158 = arith.constant 0 : i32
        %dma_wait3A_159 = tpu.memref_slice %arg4[%add3A_101, %dma_wait3A_158, %mul3A_2] : memref<50x32x16384xf32, #tpu.memory_space<hbm>> -> memref<1x32x512xf32, #tpu.memory_space<hbm>>
        %dma_wait3A_160 = tpu.memref_squeeze %dma_wait3A_159 : memref<1x32x512xf32, #tpu.memory_space<hbm>> -> memref<32x512xf32, #tpu.memory_space<hbm>>
        tpu.wait_dma2 semaphore(%arg12 : memref<!tpu.dma_semaphore, #tpu.memory_space<semaphore_mem>>) src(%arg8 : memref<32x512xf32, #tpu.memory_space<vmem>>) dst(%dma_wait3A_160 : memref<32x512xf32, #tpu.memory_space<hbm>>)
      } else {
      }
      %parallel_loop3A = arith.constant 0 : i32
      %parallel_loop3A_110 = arith.constant 32 : i32
      %parallel_loop3A_111 = arith.constant 1 : i32
      scf.for %parallel_loop3A_155 = %parallel_loop3A to %parallel_loop3A_110 step %parallel_loop3A_111  : i32 {
        %parallel_loop3A_156 = arith.constant 16 : i32
        %parallel_loop3A_157 = arith.muli %parallel_loop3A_155, %parallel_loop3A_156 : i32
        %parallel_loop3A_158 = vector.broadcast %parallel_loop3A_157 : i32 to vector<16xi32>
        %parallel_loop3A_159 = arith.addi %parallel_loop3A_158, %iota3A : vector<16xi32>
        %parallel_loop3A_160 = arith.constant 16 : i32
        %parallel_loop3A_161 = arith.muli %parallel_loop3A_155, %parallel_loop3A_160 : i32
        %parallel_loop3A_162 = tpu.assume_multiple %parallel_loop3A_161, 16 : i32
        %parallel_loop3A_163 = tpu.vector_load_idx %arg6[%parallel_loop3A_159, %broadcast_in_dim3A_3] : memref<512x32xf32, #tpu.memory_space<vmem>>[vector<16xi32>, vector<16xi32>], vector<16xf32>,
        %parallel_loop3A_164 = tpu.vector_load_idx %arg6[%parallel_loop3A_159, %broadcast_in_dim3A_5] : memref<512x32xf32, #tpu.memory_space<vmem>>[vector<16xi32>, vector<16xi32>], vector<16xf32>,
        %parallel_loop3A_165 = tpu.vector_load_idx %arg6[%parallel_loop3A_159, %broadcast_in_dim3A_7] : memref<512x32xf32, #tpu.memory_space<vmem>>[vector<16xi32>, vector<16xi32>], vector<16xf32>,
        %parallel_loop3A_166 = tpu.vector_load_idx %arg6[%parallel_loop3A_159, %broadcast_in_dim3A_9] : memref<512x32xf32, #tpu.memory_space<vmem>>[vector<16xi32>, vector<16xi32>], vector<16xf32>,
        %parallel_loop3A_167 = tpu.vector_load_idx %arg6[%parallel_loop3A_159, %broadcast_in_dim3A_11] : memref<512x32xf32, #tpu.memory_space<vmem>>[vector<16xi32>, vector<16xi32>], vector<16xf32>,
        %parallel_loop3A_168 = tpu.vector_load_idx %arg6[%parallel_loop3A_159, %broadcast_in_dim3A_13] : memref<512x32xf32, #tpu.memory_space<vmem>>[vector<16xi32>, vector<16xi32>], vector<16xf32>,
        %parallel_loop3A_169 = tpu.vector_load_idx %arg6[%parallel_loop3A_159, %broadcast_in_dim3A_15] : memref<512x32xf32, #tpu.memory_space<vmem>>[vector<16xi32>, vector<16xi32>], vector<16xf32>,
        %parallel_loop3A_170 = tpu.vector_load_idx %arg6[%parallel_loop3A_159, %broadcast_in_dim3A_17] : memref<512x32xf32, #tpu.memory_space<vmem>>[vector<16xi32>, vector<16xi32>], vector<16xf32>,
        %parallel_loop3A_171 = arith.constant 0 : i32
        %parallel_loop3A_172 = arith.index_cast %parallel_loop3A_171 : i32 to index
        %parallel_loop3A_173 = arith.index_cast %parallel_loop3A_162 : i32 to index
        %parallel_loop3A_174 = tpu.vector_load %arg8[%parallel_loop3A_172, %parallel_loop3A_173] {strides = array<i32>} : memref<32x512xf32, #tpu.memory_space<vmem>>, vector<16xf32>,
        tpu.vector_store %arg8[%parallel_loop3A_172, %parallel_loop3A_173], %parallel_loop3A_163 {strides = array<i32>} : memref<32x512xf32, #tpu.memory_space<vmem>>, vector<16xf32>,
        %parallel_loop3A_175 = arith.constant 1 : i32
        %parallel_loop3A_176 = arith.index_cast %parallel_loop3A_175 : i32 to index
        %parallel_loop3A_177 = arith.index_cast %parallel_loop3A_162 : i32 to index
        %parallel_loop3A_178 = tpu.vector_load %arg8[%parallel_loop3A_176, %parallel_loop3A_177] {strides = array<i32>} : memref<32x512xf32, #tpu.memory_space<vmem>>, vector<16xf32>,
        tpu.vector_store %arg8[%parallel_loop3A_176, %parallel_loop3A_177], %parallel_loop3A_164 {strides = array<i32>} : memref<32x512xf32, #tpu.memory_space<vmem>>, vector<16xf32>,
        %parallel_loop3A_179 = arith.constant 2 : i32
        %parallel_loop3A_180 = arith.index_cast %parallel_loop3A_179 : i32 to index
        %parallel_loop3A_181 = arith.index_cast %parallel_loop3A_162 : i32 to index
        %parallel_loop3A_182 = tpu.vector_load %arg8[%parallel_loop3A_180, %parallel_loop3A_181] {strides = array<i32>} : memref<32x512xf32, #tpu.memory_space<vmem>>, vector<16xf32>,
        tpu.vector_store %arg8[%parallel_loop3A_180, %parallel_loop3A_181], %parallel_loop3A_165 {strides = array<i32>} : memref<32x512xf32, #tpu.memory_space<vmem>>, vector<16xf32>,
        %parallel_loop3A_183 = arith.constant 3 : i32
        %parallel_loop3A_184 = arith.index_cast %parallel_loop3A_183 : i32 to index
        %parallel_loop3A_185 = arith.index_cast %parallel_loop3A_162 : i32 to index
        %parallel_loop3A_186 = tpu.vector_load %arg8[%parallel_loop3A_184, %parallel_loop3A_185] {strides = array<i32>} : memref<32x512xf32, #tpu.memory_space<vmem>>, vector<16xf32>,
        tpu.vector_store %arg8[%parallel_loop3A_184, %parallel_loop3A_185], %parallel_loop3A_166 {strides = array<i32>} : memref<32x512xf32, #tpu.memory_space<vmem>>, vector<16xf32>,
        %parallel_loop3A_187 = arith.constant 4 : i32
        %parallel_loop3A_188 = arith.index_cast %parallel_loop3A_187 : i32 to index
        %parallel_loop3A_189 = arith.index_cast %parallel_loop3A_162 : i32 to index
        %parallel_loop3A_190 = tpu.vector_load %arg8[%parallel_loop3A_188, %parallel_loop3A_189] {strides = array<i32>} : memref<32x512xf32, #tpu.memory_space<vmem>>, vector<16xf32>,
        tpu.vector_store %arg8[%parallel_loop3A_188, %parallel_loop3A_189], %parallel_loop3A_167 {strides = array<i32>} : memref<32x512xf32, #tpu.memory_space<vmem>>, vector<16xf32>,
        %parallel_loop3A_191 = arith.constant 5 : i32
        %parallel_loop3A_192 = arith.index_cast %parallel_loop3A_191 : i32 to index
        %parallel_loop3A_193 = arith.index_cast %parallel_loop3A_162 : i32 to index
        %parallel_loop3A_194 = tpu.vector_load %arg8[%parallel_loop3A_192, %parallel_loop3A_193] {strides = array<i32>} : memref<32x512xf32, #tpu.memory_space<vmem>>, vector<16xf32>,
        tpu.vector_store %arg8[%parallel_loop3A_192, %parallel_loop3A_193], %parallel_loop3A_168 {strides = array<i32>} : memref<32x512xf32, #tpu.memory_space<vmem>>, vector<16xf32>,
        %parallel_loop3A_195 = arith.constant 6 : i32
        %parallel_loop3A_196 = arith.index_cast %parallel_loop3A_195 : i32 to index
        %parallel_loop3A_197 = arith.index_cast %parallel_loop3A_162 : i32 to index
        %parallel_loop3A_198 = tpu.vector_load %arg8[%parallel_loop3A_196, %parallel_loop3A_197] {strides = array<i32>} : memref<32x512xf32, #tpu.memory_space<vmem>>, vector<16xf32>,
        tpu.vector_store %arg8[%parallel_loop3A_196, %parallel_loop3A_197], %parallel_loop3A_169 {strides = array<i32>} : memref<32x512xf32, #tpu.memory_space<vmem>>, vector<16xf32>,
        %parallel_loop3A_199 = arith.constant 7 : i32
        %parallel_loop3A_200 = arith.index_cast %parallel_loop3A_199 : i32 to index
        %parallel_loop3A_201 = arith.index_cast %parallel_loop3A_162 : i32 to index
        %parallel_loop3A_202 = tpu.vector_load %arg8[%parallel_loop3A_200, %parallel_loop3A_201] {strides = array<i32>} : memref<32x512xf32, #tpu.memory_space<vmem>>, vector<16xf32>,
        tpu.vector_store %arg8[%parallel_loop3A_200, %parallel_loop3A_201], %parallel_loop3A_170 {strides = array<i32>} : memref<32x512xf32, #tpu.memory_space<vmem>>, vector<16xf32>,
        %parallel_loop3A_203 = tpu.vector_load_idx %arg6[%parallel_loop3A_159, %broadcast_in_dim3A_19] : memref<512x32xf32, #tpu.memory_space<vmem>>[vector<16xi32>, vector<16xi32>], vector<16xf32>,
        %parallel_loop3A_204 = tpu.vector_load_idx %arg6[%parallel_loop3A_159, %broadcast_in_dim3A_21] : memref<512x32xf32, #tpu.memory_space<vmem>>[vector<16xi32>, vector<16xi32>], vector<16xf32>,
        %parallel_loop3A_205 = tpu.vector_load_idx %arg6[%parallel_loop3A_159, %broadcast_in_dim3A_23] : memref<512x32xf32, #tpu.memory_space<vmem>>[vector<16xi32>, vector<16xi32>], vector<16xf32>,
        %parallel_loop3A_206 = tpu.vector_load_idx %arg6[%parallel_loop3A_159, %broadcast_in_dim3A_25] : memref<512x32xf32, #tpu.memory_space<vmem>>[vector<16xi32>, vector<16xi32>], vector<16xf32>,
        %parallel_loop3A_207 = tpu.vector_load_idx %arg6[%parallel_loop3A_159, %broadcast_in_dim3A_27] : memref<512x32xf32, #tpu.memory_space<vmem>>[vector<16xi32>, vector<16xi32>], vector<16xf32>,
        %parallel_loop3A_208 = tpu.vector_load_idx %arg6[%parallel_loop3A_159, %broadcast_in_dim3A_29] : memref<512x32xf32, #tpu.memory_space<vmem>>[vector<16xi32>, vector<16xi32>], vector<16xf32>,
        %parallel_loop3A_209 = tpu.vector_load_idx %arg6[%parallel_loop3A_159, %broadcast_in_dim3A_31] : memref<512x32xf32, #tpu.memory_space<vmem>>[vector<16xi32>, vector<16xi32>], vector<16xf32>,
        %parallel_loop3A_210 = tpu.vector_load_idx %arg6[%parallel_loop3A_159, %broadcast_in_dim3A_33] : memref<512x32xf32, #tpu.memory_space<vmem>>[vector<16xi32>, vector<16xi32>], vector<16xf32>,
        %parallel_loop3A_211 = arith.constant 8 : i32
        %parallel_loop3A_212 = arith.index_cast %parallel_loop3A_211 : i32 to index
        %parallel_loop3A_213 = arith.index_cast %parallel_loop3A_162 : i32 to index
        %parallel_loop3A_214 = tpu.vector_load %arg8[%parallel_loop3A_212, %parallel_loop3A_213] {strides = array<i32>} : memref<32x512xf32, #tpu.memory_space<vmem>>, vector<16xf32>,
        tpu.vector_store %arg8[%parallel_loop3A_212, %parallel_loop3A_213], %parallel_loop3A_203 {strides = array<i32>} : memref<32x512xf32, #tpu.memory_space<vmem>>, vector<16xf32>,
        %parallel_loop3A_215 = arith.constant 9 : i32
        %parallel_loop3A_216 = arith.index_cast %parallel_loop3A_215 : i32 to index
        %parallel_loop3A_217 = arith.index_cast %parallel_loop3A_162 : i32 to index
        %parallel_loop3A_218 = tpu.vector_load %arg8[%parallel_loop3A_216, %parallel_loop3A_217] {strides = array<i32>} : memref<32x512xf32, #tpu.memory_space<vmem>>, vector<16xf32>,
        tpu.vector_store %arg8[%parallel_loop3A_216, %parallel_loop3A_217], %parallel_loop3A_204 {strides = array<i32>} : memref<32x512xf32, #tpu.memory_space<vmem>>, vector<16xf32>,
        %parallel_loop3A_219 = arith.constant 10 : i32
        %parallel_loop3A_220 = arith.index_cast %parallel_loop3A_219 : i32 to index
        %parallel_loop3A_221 = arith.index_cast %parallel_loop3A_162 : i32 to index
        %parallel_loop3A_222 = tpu.vector_load %arg8[%parallel_loop3A_220, %parallel_loop3A_221] {strides = array<i32>} : memref<32x512xf32, #tpu.memory_space<vmem>>, vector<16xf32>,
        tpu.vector_store %arg8[%parallel_loop3A_220, %parallel_loop3A_221], %parallel_loop3A_205 {strides = array<i32>} : memref<32x512xf32, #tpu.memory_space<vmem>>, vector<16xf32>,
        %parallel_loop3A_223 = arith.constant 11 : i32
        %parallel_loop3A_224 = arith.index_cast %parallel_loop3A_223 : i32 to index
        %parallel_loop3A_225 = arith.index_cast %parallel_loop3A_162 : i32 to index
        %parallel_loop3A_226 = tpu.vector_load %arg8[%parallel_loop3A_224, %parallel_loop3A_225] {strides = array<i32>} : memref<32x512xf32, #tpu.memory_space<vmem>>, vector<16xf32>,
        tpu.vector_store %arg8[%parallel_loop3A_224, %parallel_loop3A_225], %parallel_loop3A_206 {strides = array<i32>} : memref<32x512xf32, #tpu.memory_space<vmem>>, vector<16xf32>,
        %parallel_loop3A_227 = arith.constant 12 : i32
        %parallel_loop3A_228 = arith.index_cast %parallel_loop3A_227 : i32 to index
        %parallel_loop3A_229 = arith.index_cast %parallel_loop3A_162 : i32 to index
        %parallel_loop3A_230 = tpu.vector_load %arg8[%parallel_loop3A_228, %parallel_loop3A_229] {strides = array<i32>} : memref<32x512xf32, #tpu.memory_space<vmem>>, vector<16xf32>,
        tpu.vector_store %arg8[%parallel_loop3A_228, %parallel_loop3A_229], %parallel_loop3A_207 {strides = array<i32>} : memref<32x512xf32, #tpu.memory_space<vmem>>, vector<16xf32>,
        %parallel_loop3A_231 = arith.constant 13 : i32
        %parallel_loop3A_232 = arith.index_cast %parallel_loop3A_231 : i32 to index
        %parallel_loop3A_233 = arith.index_cast %parallel_loop3A_162 : i32 to index
        %parallel_loop3A_234 = tpu.vector_load %arg8[%parallel_loop3A_232, %parallel_loop3A_233] {strides = array<i32>} : memref<32x512xf32, #tpu.memory_space<vmem>>, vector<16xf32>,
        tpu.vector_store %arg8[%parallel_loop3A_232, %parallel_loop3A_233], %parallel_loop3A_208 {strides = array<i32>} : memref<32x512xf32, #tpu.memory_space<vmem>>, vector<16xf32>,
        %parallel_loop3A_235 = arith.constant 14 : i32
        %parallel_loop3A_236 = arith.index_cast %parallel_loop3A_235 : i32 to index
        %parallel_loop3A_237 = arith.index_cast %parallel_loop3A_162 : i32 to index
        %parallel_loop3A_238 = tpu.vector_load %arg8[%parallel_loop3A_236, %parallel_loop3A_237] {strides = array<i32>} : memref<32x512xf32, #tpu.memory_space<vmem>>, vector<16xf32>,
        tpu.vector_store %arg8[%parallel_loop3A_236, %parallel_loop3A_237], %parallel_loop3A_209 {strides = array<i32>} : memref<32x512xf32, #tpu.memory_space<vmem>>, vector<16xf32>,
        %parallel_loop3A_239 = arith.constant 15 : i32
        %parallel_loop3A_240 = arith.index_cast %parallel_loop3A_239 : i32 to index
        %parallel_loop3A_241 = arith.index_cast %parallel_loop3A_162 : i32 to index
        %parallel_loop3A_242 = tpu.vector_load %arg8[%parallel_loop3A_240, %parallel_loop3A_241] {strides = array<i32>} : memref<32x512xf32, #tpu.memory_space<vmem>>, vector<16xf32>,
        tpu.vector_store %arg8[%parallel_loop3A_240, %parallel_loop3A_241], %parallel_loop3A_210 {strides = array<i32>} : memref<32x512xf32, #tpu.memory_space<vmem>>, vector<16xf32>,
        %parallel_loop3A_243 = tpu.vector_load_idx %arg6[%parallel_loop3A_159, %broadcast_in_dim3A_35] : memref<512x32xf32, #tpu.memory_space<vmem>>[vector<16xi32>, vector<16xi32>], vector<16xf32>,
        %parallel_loop3A_244 = tpu.vector_load_idx %arg6[%parallel_loop3A_159, %broadcast_in_dim3A_37] : memref<512x32xf32, #tpu.memory_space<vmem>>[vector<16xi32>, vector<16xi32>], vector<16xf32>,
        %parallel_loop3A_245 = tpu.vector_load_idx %arg6[%parallel_loop3A_159, %broadcast_in_dim3A_39] : memref<512x32xf32, #tpu.memory_space<vmem>>[vector<16xi32>, vector<16xi32>], vector<16xf32>,
        %parallel_loop3A_246 = tpu.vector_load_idx %arg6[%parallel_loop3A_159, %broadcast_in_dim3A_41] : memref<512x32xf32, #tpu.memory_space<vmem>>[vector<16xi32>, vector<16xi32>], vector<16xf32>,
        %parallel_loop3A_247 = tpu.vector_load_idx %arg6[%parallel_loop3A_159, %broadcast_in_dim3A_43] : memref<512x32xf32, #tpu.memory_space<vmem>>[vector<16xi32>, vector<16xi32>], vector<16xf32>,
        %parallel_loop3A_248 = tpu.vector_load_idx %arg6[%parallel_loop3A_159, %broadcast_in_dim3A_45] : memref<512x32xf32, #tpu.memory_space<vmem>>[vector<16xi32>, vector<16xi32>], vector<16xf32>,
        %parallel_loop3A_249 = tpu.vector_load_idx %arg6[%parallel_loop3A_159, %broadcast_in_dim3A_47] : memref<512x32xf32, #tpu.memory_space<vmem>>[vector<16xi32>, vector<16xi32>], vector<16xf32>,
        %parallel_loop3A_250 = tpu.vector_load_idx %arg6[%parallel_loop3A_159, %broadcast_in_dim3A_49] : memref<512x32xf32, #tpu.memory_space<vmem>>[vector<16xi32>, vector<16xi32>], vector<16xf32>,
        %parallel_loop3A_251 = arith.constant 16 : i32
        %parallel_loop3A_252 = arith.index_cast %parallel_loop3A_251 : i32 to index
        %parallel_loop3A_253 = arith.index_cast %parallel_loop3A_162 : i32 to index
        %parallel_loop3A_254 = tpu.vector_load %arg8[%parallel_loop3A_252, %parallel_loop3A_253] {strides = array<i32>} : memref<32x512xf32, #tpu.memory_space<vmem>>, vector<16xf32>,
        tpu.vector_store %arg8[%parallel_loop3A_252, %parallel_loop3A_253], %parallel_loop3A_243 {strides = array<i32>} : memref<32x512xf32, #tpu.memory_space<vmem>>, vector<16xf32>,
        %parallel_loop3A_255 = arith.constant 17 : i32
        %parallel_loop3A_256 = arith.index_cast %parallel_loop3A_255 : i32 to index
        %parallel_loop3A_257 = arith.index_cast %parallel_loop3A_162 : i32 to index
        %parallel_loop3A_258 = tpu.vector_load %arg8[%parallel_loop3A_256, %parallel_loop3A_257] {strides = array<i32>} : memref<32x512xf32, #tpu.memory_space<vmem>>, vector<16xf32>,
        tpu.vector_store %arg8[%parallel_loop3A_256, %parallel_loop3A_257], %parallel_loop3A_244 {strides = array<i32>} : memref<32x512xf32, #tpu.memory_space<vmem>>, vector<16xf32>,
        %parallel_loop3A_259 = arith.constant 18 : i32
        %parallel_loop3A_260 = arith.index_cast %parallel_loop3A_259 : i32 to index
        %parallel_loop3A_261 = arith.index_cast %parallel_loop3A_162 : i32 to index
        %parallel_loop3A_262 = tpu.vector_load %arg8[%parallel_loop3A_260, %parallel_loop3A_261] {strides = array<i32>} : memref<32x512xf32, #tpu.memory_space<vmem>>, vector<16xf32>,
        tpu.vector_store %arg8[%parallel_loop3A_260, %parallel_loop3A_261], %parallel_loop3A_245 {strides = array<i32>} : memref<32x512xf32, #tpu.memory_space<vmem>>, vector<16xf32>,
        %parallel_loop3A_263 = arith.constant 19 : i32
        %parallel_loop3A_264 = arith.index_cast %parallel_loop3A_263 : i32 to index
        %parallel_loop3A_265 = arith.index_cast %parallel_loop3A_162 : i32 to index
        %parallel_loop3A_266 = tpu.vector_load %arg8[%parallel_loop3A_264, %parallel_loop3A_265] {strides = array<i32>} : memref<32x512xf32, #tpu.memory_space<vmem>>, vector<16xf32>,
        tpu.vector_store %arg8[%parallel_loop3A_264, %parallel_loop3A_265], %parallel_loop3A_246 {strides = array<i32>} : memref<32x512xf32, #tpu.memory_space<vmem>>, vector<16xf32>,
        %parallel_loop3A_267 = arith.constant 20 : i32
        %parallel_loop3A_268 = arith.index_cast %parallel_loop3A_267 : i32 to index
        %parallel_loop3A_269 = arith.index_cast %parallel_loop3A_162 : i32 to index
        %parallel_loop3A_270 = tpu.vector_load %arg8[%parallel_loop3A_268, %parallel_loop3A_269] {strides = array<i32>} : memref<32x512xf32, #tpu.memory_space<vmem>>, vector<16xf32>,
        tpu.vector_store %arg8[%parallel_loop3A_268, %parallel_loop3A_269], %parallel_loop3A_247 {strides = array<i32>} : memref<32x512xf32, #tpu.memory_space<vmem>>, vector<16xf32>,
        %parallel_loop3A_271 = arith.constant 21 : i32
        %parallel_loop3A_272 = arith.index_cast %parallel_loop3A_271 : i32 to index
        %parallel_loop3A_273 = arith.index_cast %parallel_loop3A_162 : i32 to index
        %parallel_loop3A_274 = tpu.vector_load %arg8[%parallel_loop3A_272, %parallel_loop3A_273] {strides = array<i32>} : memref<32x512xf32, #tpu.memory_space<vmem>>, vector<16xf32>,
        tpu.vector_store %arg8[%parallel_loop3A_272, %parallel_loop3A_273], %parallel_loop3A_248 {strides = array<i32>} : memref<32x512xf32, #tpu.memory_space<vmem>>, vector<16xf32>,
        %parallel_loop3A_275 = arith.constant 22 : i32
        %parallel_loop3A_276 = arith.index_cast %parallel_loop3A_275 : i32 to index
        %parallel_loop3A_277 = arith.index_cast %parallel_loop3A_162 : i32 to index
        %parallel_loop3A_278 = tpu.vector_load %arg8[%parallel_loop3A_276, %parallel_loop3A_277] {strides = array<i32>} : memref<32x512xf32, #tpu.memory_space<vmem>>, vector<16xf32>,
        tpu.vector_store %arg8[%parallel_loop3A_276, %parallel_loop3A_277], %parallel_loop3A_249 {strides = array<i32>} : memref<32x512xf32, #tpu.memory_space<vmem>>, vector<16xf32>,
        %parallel_loop3A_279 = arith.constant 23 : i32
        %parallel_loop3A_280 = arith.index_cast %parallel_loop3A_279 : i32 to index
        %parallel_loop3A_281 = arith.index_cast %parallel_loop3A_162 : i32 to index
        %parallel_loop3A_282 = tpu.vector_load %arg8[%parallel_loop3A_280, %parallel_loop3A_281] {strides = array<i32>} : memref<32x512xf32, #tpu.memory_space<vmem>>, vector<16xf32>,
        tpu.vector_store %arg8[%parallel_loop3A_280, %parallel_loop3A_281], %parallel_loop3A_250 {strides = array<i32>} : memref<32x512xf32, #tpu.memory_space<vmem>>, vector<16xf32>,
        %parallel_loop3A_283 = tpu.vector_load_idx %arg6[%parallel_loop3A_159, %broadcast_in_dim3A_51] : memref<512x32xf32, #tpu.memory_space<vmem>>[vector<16xi32>, vector<16xi32>], vector<16xf32>,
        %parallel_loop3A_284 = tpu.vector_load_idx %arg6[%parallel_loop3A_159, %broadcast_in_dim3A_53] : memref<512x32xf32, #tpu.memory_space<vmem>>[vector<16xi32>, vector<16xi32>], vector<16xf32>,
        %parallel_loop3A_285 = tpu.vector_load_idx %arg6[%parallel_loop3A_159, %broadcast_in_dim3A_55] : memref<512x32xf32, #tpu.memory_space<vmem>>[vector<16xi32>, vector<16xi32>], vector<16xf32>,
        %parallel_loop3A_286 = tpu.vector_load_idx %arg6[%parallel_loop3A_159, %broadcast_in_dim3A_57] : memref<512x32xf32, #tpu.memory_space<vmem>>[vector<16xi32>, vector<16xi32>], vector<16xf32>,
        %parallel_loop3A_287 = tpu.vector_load_idx %arg6[%parallel_loop3A_159, %broadcast_in_dim3A_59] : memref<512x32xf32, #tpu.memory_space<vmem>>[vector<16xi32>, vector<16xi32>], vector<16xf32>,
        %parallel_loop3A_288 = tpu.vector_load_idx %arg6[%parallel_loop3A_159, %broadcast_in_dim3A_61] : memref<512x32xf32, #tpu.memory_space<vmem>>[vector<16xi32>, vector<16xi32>], vector<16xf32>,
        %parallel_loop3A_289 = tpu.vector_load_idx %arg6[%parallel_loop3A_159, %broadcast_in_dim3A_63] : memref<512x32xf32, #tpu.memory_space<vmem>>[vector<16xi32>, vector<16xi32>], vector<16xf32>,
        %parallel_loop3A_290 = tpu.vector_load_idx %arg6[%parallel_loop3A_159, %broadcast_in_dim3A_65] : memref<512x32xf32, #tpu.memory_space<vmem>>[vector<16xi32>, vector<16xi32>], vector<16xf32>,
        %parallel_loop3A_291 = arith.constant 24 : i32
        %parallel_loop3A_292 = arith.index_cast %parallel_loop3A_291 : i32 to index
        %parallel_loop3A_293 = arith.index_cast %parallel_loop3A_162 : i32 to index
        %parallel_loop3A_294 = tpu.vector_load %arg8[%parallel_loop3A_292, %parallel_loop3A_293] {strides = array<i32>} : memref<32x512xf32, #tpu.memory_space<vmem>>, vector<16xf32>,
        tpu.vector_store %arg8[%parallel_loop3A_292, %parallel_loop3A_293], %parallel_loop3A_283 {strides = array<i32>} : memref<32x512xf32, #tpu.memory_space<vmem>>, vector<16xf32>,
        %parallel_loop3A_295 = arith.constant 25 : i32
        %parallel_loop3A_296 = arith.index_cast %parallel_loop3A_295 : i32 to index
        %parallel_loop3A_297 = arith.index_cast %parallel_loop3A_162 : i32 to index
        %parallel_loop3A_298 = tpu.vector_load %arg8[%parallel_loop3A_296, %parallel_loop3A_297] {strides = array<i32>} : memref<32x512xf32, #tpu.memory_space<vmem>>, vector<16xf32>,
        tpu.vector_store %arg8[%parallel_loop3A_296, %parallel_loop3A_297], %parallel_loop3A_284 {strides = array<i32>} : memref<32x512xf32, #tpu.memory_space<vmem>>, vector<16xf32>,
        %parallel_loop3A_299 = arith.constant 26 : i32
        %parallel_loop3A_300 = arith.index_cast %parallel_loop3A_299 : i32 to index
        %parallel_loop3A_301 = arith.index_cast %parallel_loop3A_162 : i32 to index
        %parallel_loop3A_302 = tpu.vector_load %arg8[%parallel_loop3A_300, %parallel_loop3A_301] {strides = array<i32>} : memref<32x512xf32, #tpu.memory_space<vmem>>, vector<16xf32>,
        tpu.vector_store %arg8[%parallel_loop3A_300, %parallel_loop3A_301], %parallel_loop3A_285 {strides = array<i32>} : memref<32x512xf32, #tpu.memory_space<vmem>>, vector<16xf32>,
        %parallel_loop3A_303 = arith.constant 27 : i32
        %parallel_loop3A_304 = arith.index_cast %parallel_loop3A_303 : i32 to index
        %parallel_loop3A_305 = arith.index_cast %parallel_loop3A_162 : i32 to index
        %parallel_loop3A_306 = tpu.vector_load %arg8[%parallel_loop3A_304, %parallel_loop3A_305] {strides = array<i32>} : memref<32x512xf32, #tpu.memory_space<vmem>>, vector<16xf32>,
        tpu.vector_store %arg8[%parallel_loop3A_304, %parallel_loop3A_305], %parallel_loop3A_286 {strides = array<i32>} : memref<32x512xf32, #tpu.memory_space<vmem>>, vector<16xf32>,
        %parallel_loop3A_307 = arith.constant 28 : i32
        %parallel_loop3A_308 = arith.index_cast %parallel_loop3A_307 : i32 to index
        %parallel_loop3A_309 = arith.index_cast %parallel_loop3A_162 : i32 to index
        %parallel_loop3A_310 = tpu.vector_load %arg8[%parallel_loop3A_308, %parallel_loop3A_309] {strides = array<i32>} : memref<32x512xf32, #tpu.memory_space<vmem>>, vector<16xf32>,
        tpu.vector_store %arg8[%parallel_loop3A_308, %parallel_loop3A_309], %parallel_loop3A_287 {strides = array<i32>} : memref<32x512xf32, #tpu.memory_space<vmem>>, vector<16xf32>,
        %parallel_loop3A_311 = arith.constant 29 : i32
        %parallel_loop3A_312 = arith.index_cast %parallel_loop3A_311 : i32 to index
        %parallel_loop3A_313 = arith.index_cast %parallel_loop3A_162 : i32 to index
        %parallel_loop3A_314 = tpu.vector_load %arg8[%parallel_loop3A_312, %parallel_loop3A_313] {strides = array<i32>} : memref<32x512xf32, #tpu.memory_space<vmem>>, vector<16xf32>,
        tpu.vector_store %arg8[%parallel_loop3A_312, %parallel_loop3A_313], %parallel_loop3A_288 {strides = array<i32>} : memref<32x512xf32, #tpu.memory_space<vmem>>, vector<16xf32>,
        %parallel_loop3A_315 = arith.constant 30 : i32
        %parallel_loop3A_316 = arith.index_cast %parallel_loop3A_315 : i32 to index
        %parallel_loop3A_317 = arith.index_cast %parallel_loop3A_162 : i32 to index
        %parallel_loop3A_318 = tpu.vector_load %arg8[%parallel_loop3A_316, %parallel_loop3A_317] {strides = array<i32>} : memref<32x512xf32, #tpu.memory_space<vmem>>, vector<16xf32>,
        tpu.vector_store %arg8[%parallel_loop3A_316, %parallel_loop3A_317], %parallel_loop3A_289 {strides = array<i32>} : memref<32x512xf32, #tpu.memory_space<vmem>>, vector<16xf32>,
        %parallel_loop3A_319 = arith.constant 31 : i32
        %parallel_loop3A_320 = arith.index_cast %parallel_loop3A_319 : i32 to index
        %parallel_loop3A_321 = arith.index_cast %parallel_loop3A_162 : i32 to index
        %parallel_loop3A_322 = tpu.vector_load %arg8[%parallel_loop3A_320, %parallel_loop3A_321] {strides = array<i32>} : memref<32x512xf32, #tpu.memory_space<vmem>>, vector<16xf32>,
        tpu.vector_store %arg8[%parallel_loop3A_320, %parallel_loop3A_321], %parallel_loop3A_290 {strides = array<i32>} : memref<32x512xf32, #tpu.memory_space<vmem>>, vector<16xf32>,
      } {sc.loop_unroll_factor = 2 : i64, sc.parallel_access}
      %add3A_112 = arith.constant 2 : i32
      %add3A_113 = arith.addi %add3A_101, %add3A_112 : i32
      %lt3A = arith.constant 50 : i32
      %lt3A_114 = arith.cmpi slt, %add3A_113, %lt3A : i32
      %convert_element_type3A_115 = arith.extui %lt3A_114 : i1 to i32
      %cond3A_116 = arith.constant 0 : i32
      %cond3A_117 = arith.cmpi ne, %convert_element_type3A_115, %cond3A_116 : i32
      scf.if %cond3A_117 {
        %add3A_155 = arith.constant 2 : i32
        %add3A_156 = arith.addi %add3A_101, %add3A_155 : i32
        %dma_start3A_157 = arith.constant 0 : i32
        %dma_start3A_158 = tpu.memref_slice %arg5[%add3A_156, %dma_start3A_157] : memref<50x512xi32, #tpu.memory_space<vmem>> -> memref<1x512xi32, #tpu.memory_space<vmem>>
        %dma_start3A_159 = tpu.memref_squeeze %dma_start3A_158 : memref<1x512xi32, #tpu.memory_space<vmem>> -> memref<512xi32, #tpu.memory_space<vmem>>
        %dma_start3A_160 = arith.constant 0 : i32
        %dma_start3A_161 = arith.constant 0 : i32
        %dma_start3A_162 = tpu.memref_slice %arg3[%dma_start3A_160, %dma_start3A_161] : memref<1000000x32xf32, #tpu.memory_space<hbm>> -> memref<1000000x32xf32, #tpu.memory_space<hbm>>
        tpu.enqueue_indirect_dma source(%dma_start3A_162 : memref<1000000x32xf32, #tpu.memory_space<hbm>>) target(%arg6 : memref<512x32xf32, #tpu.memory_space<vmem>>) offsets(%dma_start3A_159 : memref<512xi32, #tpu.memory_space<vmem>>) semaphore(%arg10 : memref<!tpu.dma_semaphore, #tpu.memory_space<semaphore_mem>>)
      } else {
      }
      %dma_start3A_118 = arith.constant 0 : i32
      %dma_start3A_119 = tpu.memref_slice %arg4[%add3A_101, %dma_start3A_118, %mul3A_2] : memref<50x32x16384xf32, #tpu.memory_space<hbm>> -> memref<1x32x512xf32, #tpu.memory_space<hbm>>
      %dma_start3A_120 = tpu.memref_squeeze %dma_start3A_119 : memref<1x32x512xf32, #tpu.memory_space<hbm>> -> memref<32x512xf32, #tpu.memory_space<hbm>>
      %dma_start3A_121 = arith.constant 0 : i32
      %dma_start3A_122 = tpu.memref_slice %arg4[%add3A_101, %dma_start3A_121, %mul3A_2] : memref<50x32x16384xf32, #tpu.memory_space<hbm>> -> memref<1x32x512xf32, #tpu.memory_space<hbm>>
      %dma_start3A_123 = tpu.memref_squeeze %dma_start3A_122 : memref<1x32x512xf32, #tpu.memory_space<hbm>> -> memref<32x512xf32, #tpu.memory_space<hbm>>
      tpu.enqueue_dma source(%arg8 : memref<32x512xf32, #tpu.memory_space<vmem>>) target(%dma_start3A_123 : memref<32x512xf32, #tpu.memory_space<hbm>>) target_semaphore(%arg12 : memref<!tpu.dma_semaphore, #tpu.memory_space<semaphore_mem>>)
      %mul3A_124 = arith.constant 2 : i32
      %mul3A_125 = arith.muli %scan3A_97, %mul3A_124 : i32
      %add3A_126 = arith.constant 1 : i32
      %add3A_127 = arith.addi %mul3A_125, %add3A_126 : i32
      %dma_wait3A_128 = arith.constant 0 : i32
      %dma_wait3A_129 = tpu.memref_slice %arg5[%add3A_127, %dma_wait3A_128] : memref<50x512xi32, #tpu.memory_space<vmem>> -> memref<1x512xi32, #tpu.memory_space<vmem>>
      %dma_wait3A_130 = tpu.memref_squeeze %dma_wait3A_129 : memref<1x512xi32, #tpu.memory_space<vmem>> -> memref<512xi32, #tpu.memory_space<vmem>>
      %dma_wait3A_131 = arith.constant 0 : i32
      %dma_wait3A_132 = arith.constant 0 : i32
      %dma_wait3A_133 = tpu.memref_slice %arg3[%dma_wait3A_131, %dma_wait3A_132] : memref<1000000x32xf32, #tpu.memory_space<hbm>> -> memref<1000000x32xf32, #tpu.memory_space<hbm>>
      tpu.wait_indirect_dma semaphore(%arg11 : memref<!tpu.dma_semaphore, #tpu.memory_space<semaphore_mem>>) src(%dma_wait3A_133 : memref<1000000x32xf32, #tpu.memory_space<hbm>>) dst(%arg7 : memref<512x32xf32, #tpu.memory_space<vmem>>)
      %ge3A_134 = arith.constant 2 : i32
      %ge3A_135 = arith.cmpi sge, %add3A_127, %ge3A_134 : i32
      %convert_element_type3A_136 = arith.extui %ge3A_135 : i1 to i32
      %cond3A_137 = arith.constant 0 : i32
      %cond3A_138 = arith.cmpi ne, %convert_element_type3A_136, %cond3A_137 : i32
      scf.if %cond3A_138 {
        %dma_wait3A_155 = arith.constant 0 : i32
        %dma_wait3A_156 = tpu.memref_slice %arg4[%add3A_127, %dma_wait3A_155, %mul3A_2] : memref<50x32x16384xf32, #tpu.memory_space<hbm>> -> memref<1x32x512xf32, #tpu.memory_space<hbm>>
        %dma_wait3A_157 = tpu.memref_squeeze %dma_wait3A_156 : memref<1x32x512xf32, #tpu.memory_space<hbm>> -> memref<32x512xf32, #tpu.memory_space<hbm>>
        %dma_wait3A_158 = arith.constant 0 : i32
        %dma_wait3A_159 = tpu.memref_slice %arg4[%add3A_127, %dma_wait3A_158, %mul3A_2] : memref<50x32x16384xf32, #tpu.memory_space<hbm>> -> memref<1x32x512xf32, #tpu.memory_space<hbm>>
        %dma_wait3A_160 = tpu.memref_squeeze %dma_wait3A_159 : memref<1x32x512xf32, #tpu.memory_space<hbm>> -> memref<32x512xf32, #tpu.memory_space<hbm>>
        tpu.wait_dma2 semaphore(%arg13 : memref<!tpu.dma_semaphore, #tpu.memory_space<semaphore_mem>>) src(%arg9 : memref<32x512xf32, #tpu.memory_space<vmem>>) dst(%dma_wait3A_160 : memref<32x512xf32, #tpu.memory_space<hbm>>)
      } else {
      }
      %parallel_loop3A_139 = arith.constant 0 : i32
      %parallel_loop3A_140 = arith.constant 32 : i32
      %parallel_loop3A_141 = arith.constant 1 : i32
      scf.for %parallel_loop3A_155 = %parallel_loop3A_139 to %parallel_loop3A_140 step %parallel_loop3A_141  : i32 {
        %parallel_loop3A_156 = arith.constant 16 : i32
        %parallel_loop3A_157 = arith.muli %parallel_loop3A_155, %parallel_loop3A_156 : i32
        %parallel_loop3A_158 = vector.broadcast %parallel_loop3A_157 : i32 to vector<16xi32>
        %parallel_loop3A_159 = arith.addi %parallel_loop3A_158, %iota3A : vector<16xi32>
        %parallel_loop3A_160 = arith.constant 16 : i32
        %parallel_loop3A_161 = arith.muli %parallel_loop3A_155, %parallel_loop3A_160 : i32
        %parallel_loop3A_162 = tpu.assume_multiple %parallel_loop3A_161, 16 : i32
        %parallel_loop3A_163 = tpu.vector_load_idx %arg7[%parallel_loop3A_159, %broadcast_in_dim3A_3] : memref<512x32xf32, #tpu.memory_space<vmem>>[vector<16xi32>, vector<16xi32>], vector<16xf32>,
        %parallel_loop3A_164 = tpu.vector_load_idx %arg7[%parallel_loop3A_159, %broadcast_in_dim3A_5] : memref<512x32xf32, #tpu.memory_space<vmem>>[vector<16xi32>, vector<16xi32>], vector<16xf32>,
        %parallel_loop3A_165 = tpu.vector_load_idx %arg7[%parallel_loop3A_159, %broadcast_in_dim3A_7] : memref<512x32xf32, #tpu.memory_space<vmem>>[vector<16xi32>, vector<16xi32>], vector<16xf32>,
        %parallel_loop3A_166 = tpu.vector_load_idx %arg7[%parallel_loop3A_159, %broadcast_in_dim3A_9] : memref<512x32xf32, #tpu.memory_space<vmem>>[vector<16xi32>, vector<16xi32>], vector<16xf32>,
        %parallel_loop3A_167 = tpu.vector_load_idx %arg7[%parallel_loop3A_159, %broadcast_in_dim3A_11] : memref<512x32xf32, #tpu.memory_space<vmem>>[vector<16xi32>, vector<16xi32>], vector<16xf32>,
        %parallel_loop3A_168 = tpu.vector_load_idx %arg7[%parallel_loop3A_159, %broadcast_in_dim3A_13] : memref<512x32xf32, #tpu.memory_space<vmem>>[vector<16xi32>, vector<16xi32>], vector<16xf32>,
        %parallel_loop3A_169 = tpu.vector_load_idx %arg7[%parallel_loop3A_159, %broadcast_in_dim3A_15] : memref<512x32xf32, #tpu.memory_space<vmem>>[vector<16xi32>, vector<16xi32>], vector<16xf32>,
        %parallel_loop3A_170 = tpu.vector_load_idx %arg7[%parallel_loop3A_159, %broadcast_in_dim3A_17] : memref<512x32xf32, #tpu.memory_space<vmem>>[vector<16xi32>, vector<16xi32>], vector<16xf32>,
        %parallel_loop3A_171 = arith.constant 0 : i32
        %parallel_loop3A_172 = arith.index_cast %parallel_loop3A_171 : i32 to index
        %parallel_loop3A_173 = arith.index_cast %parallel_loop3A_162 : i32 to index
        %parallel_loop3A_174 = tpu.vector_load %arg9[%parallel_loop3A_172, %parallel_loop3A_173] {strides = array<i32>} : memref<32x512xf32, #tpu.memory_space<vmem>>, vector<16xf32>,
        tpu.vector_store %arg9[%parallel_loop3A_172, %parallel_loop3A_173], %parallel_loop3A_163 {strides = array<i32>} : memref<32x512xf32, #tpu.memory_space<vmem>>, vector<16xf32>,
        %parallel_loop3A_175 = arith.constant 1 : i32
        %parallel_loop3A_176 = arith.index_cast %parallel_loop3A_175 : i32 to index
        %parallel_loop3A_177 = arith.index_cast %parallel_loop3A_162 : i32 to index
        %parallel_loop3A_178 = tpu.vector_load %arg9[%parallel_loop3A_176, %parallel_loop3A_177] {strides = array<i32>} : memref<32x512xf32, #tpu.memory_space<vmem>>, vector<16xf32>,
        tpu.vector_store %arg9[%parallel_loop3A_176, %parallel_loop3A_177], %parallel_loop3A_164 {strides = array<i32>} : memref<32x512xf32, #tpu.memory_space<vmem>>, vector<16xf32>,
        %parallel_loop3A_179 = arith.constant 2 : i32
        %parallel_loop3A_180 = arith.index_cast %parallel_loop3A_179 : i32 to index
        %parallel_loop3A_181 = arith.index_cast %parallel_loop3A_162 : i32 to index
        %parallel_loop3A_182 = tpu.vector_load %arg9[%parallel_loop3A_180, %parallel_loop3A_181] {strides = array<i32>} : memref<32x512xf32, #tpu.memory_space<vmem>>, vector<16xf32>,
        tpu.vector_store %arg9[%parallel_loop3A_180, %parallel_loop3A_181], %parallel_loop3A_165 {strides = array<i32>} : memref<32x512xf32, #tpu.memory_space<vmem>>, vector<16xf32>,
        %parallel_loop3A_183 = arith.constant 3 : i32
        %parallel_loop3A_184 = arith.index_cast %parallel_loop3A_183 : i32 to index
        %parallel_loop3A_185 = arith.index_cast %parallel_loop3A_162 : i32 to index
        %parallel_loop3A_186 = tpu.vector_load %arg9[%parallel_loop3A_184, %parallel_loop3A_185] {strides = array<i32>} : memref<32x512xf32, #tpu.memory_space<vmem>>, vector<16xf32>,
        tpu.vector_store %arg9[%parallel_loop3A_184, %parallel_loop3A_185], %parallel_loop3A_166 {strides = array<i32>} : memref<32x512xf32, #tpu.memory_space<vmem>>, vector<16xf32>,
        %parallel_loop3A_187 = arith.constant 4 : i32
        %parallel_loop3A_188 = arith.index_cast %parallel_loop3A_187 : i32 to index
        %parallel_loop3A_189 = arith.index_cast %parallel_loop3A_162 : i32 to index
        %parallel_loop3A_190 = tpu.vector_load %arg9[%parallel_loop3A_188, %parallel_loop3A_189] {strides = array<i32>} : memref<32x512xf32, #tpu.memory_space<vmem>>, vector<16xf32>,
        tpu.vector_store %arg9[%parallel_loop3A_188, %parallel_loop3A_189], %parallel_loop3A_167 {strides = array<i32>} : memref<32x512xf32, #tpu.memory_space<vmem>>, vector<16xf32>,
        %parallel_loop3A_191 = arith.constant 5 : i32
        %parallel_loop3A_192 = arith.index_cast %parallel_loop3A_191 : i32 to index
        %parallel_loop3A_193 = arith.index_cast %parallel_loop3A_162 : i32 to index
        %parallel_loop3A_194 = tpu.vector_load %arg9[%parallel_loop3A_192, %parallel_loop3A_193] {strides = array<i32>} : memref<32x512xf32, #tpu.memory_space<vmem>>, vector<16xf32>,
        tpu.vector_store %arg9[%parallel_loop3A_192, %parallel_loop3A_193], %parallel_loop3A_168 {strides = array<i32>} : memref<32x512xf32, #tpu.memory_space<vmem>>, vector<16xf32>,
        %parallel_loop3A_195 = arith.constant 6 : i32
        %parallel_loop3A_196 = arith.index_cast %parallel_loop3A_195 : i32 to index
        %parallel_loop3A_197 = arith.index_cast %parallel_loop3A_162 : i32 to index
        %parallel_loop3A_198 = tpu.vector_load %arg9[%parallel_loop3A_196, %parallel_loop3A_197] {strides = array<i32>} : memref<32x512xf32, #tpu.memory_space<vmem>>, vector<16xf32>,
        tpu.vector_store %arg9[%parallel_loop3A_196, %parallel_loop3A_197], %parallel_loop3A_169 {strides = array<i32>} : memref<32x512xf32, #tpu.memory_space<vmem>>, vector<16xf32>,
        %parallel_loop3A_199 = arith.constant 7 : i32
        %parallel_loop3A_200 = arith.index_cast %parallel_loop3A_199 : i32 to index
        %parallel_loop3A_201 = arith.index_cast %parallel_loop3A_162 : i32 to index
        %parallel_loop3A_202 = tpu.vector_load %arg9[%parallel_loop3A_200, %parallel_loop3A_201] {strides = array<i32>} : memref<32x512xf32, #tpu.memory_space<vmem>>, vector<16xf32>,
        tpu.vector_store %arg9[%parallel_loop3A_200, %parallel_loop3A_201], %parallel_loop3A_170 {strides = array<i32>} : memref<32x512xf32, #tpu.memory_space<vmem>>, vector<16xf32>,
        %parallel_loop3A_203 = tpu.vector_load_idx %arg7[%parallel_loop3A_159, %broadcast_in_dim3A_19] : memref<512x32xf32, #tpu.memory_space<vmem>>[vector<16xi32>, vector<16xi32>], vector<16xf32>,
        %parallel_loop3A_204 = tpu.vector_load_idx %arg7[%parallel_loop3A_159, %broadcast_in_dim3A_21] : memref<512x32xf32, #tpu.memory_space<vmem>>[vector<16xi32>, vector<16xi32>], vector<16xf32>,
        %parallel_loop3A_205 = tpu.vector_load_idx %arg7[%parallel_loop3A_159, %broadcast_in_dim3A_23] : memref<512x32xf32, #tpu.memory_space<vmem>>[vector<16xi32>, vector<16xi32>], vector<16xf32>,
        %parallel_loop3A_206 = tpu.vector_load_idx %arg7[%parallel_loop3A_159, %broadcast_in_dim3A_25] : memref<512x32xf32, #tpu.memory_space<vmem>>[vector<16xi32>, vector<16xi32>], vector<16xf32>,
        %parallel_loop3A_207 = tpu.vector_load_idx %arg7[%parallel_loop3A_159, %broadcast_in_dim3A_27] : memref<512x32xf32, #tpu.memory_space<vmem>>[vector<16xi32>, vector<16xi32>], vector<16xf32>,
        %parallel_loop3A_208 = tpu.vector_load_idx %arg7[%parallel_loop3A_159, %broadcast_in_dim3A_29] : memref<512x32xf32, #tpu.memory_space<vmem>>[vector<16xi32>, vector<16xi32>], vector<16xf32>,
        %parallel_loop3A_209 = tpu.vector_load_idx %arg7[%parallel_loop3A_159, %broadcast_in_dim3A_31] : memref<512x32xf32, #tpu.memory_space<vmem>>[vector<16xi32>, vector<16xi32>], vector<16xf32>,
        %parallel_loop3A_210 = tpu.vector_load_idx %arg7[%parallel_loop3A_159, %broadcast_in_dim3A_33] : memref<512x32xf32, #tpu.memory_space<vmem>>[vector<16xi32>, vector<16xi32>], vector<16xf32>,
        %parallel_loop3A_211 = arith.constant 8 : i32
        %parallel_loop3A_212 = arith.index_cast %parallel_loop3A_211 : i32 to index
        %parallel_loop3A_213 = arith.index_cast %parallel_loop3A_162 : i32 to index
        %parallel_loop3A_214 = tpu.vector_load %arg9[%parallel_loop3A_212, %parallel_loop3A_213] {strides = array<i32>} : memref<32x512xf32, #tpu.memory_space<vmem>>, vector<16xf32>,
        tpu.vector_store %arg9[%parallel_loop3A_212, %parallel_loop3A_213], %parallel_loop3A_203 {strides = array<i32>} : memref<32x512xf32, #tpu.memory_space<vmem>>, vector<16xf32>,
        %parallel_loop3A_215 = arith.constant 9 : i32
        %parallel_loop3A_216 = arith.index_cast %parallel_loop3A_215 : i32 to index
        %parallel_loop3A_217 = arith.index_cast %parallel_loop3A_162 : i32 to index
        %parallel_loop3A_218 = tpu.vector_load %arg9[%parallel_loop3A_216, %parallel_loop3A_217] {strides = array<i32>} : memref<32x512xf32, #tpu.memory_space<vmem>>, vector<16xf32>,
        tpu.vector_store %arg9[%parallel_loop3A_216, %parallel_loop3A_217], %parallel_loop3A_204 {strides = array<i32>} : memref<32x512xf32, #tpu.memory_space<vmem>>, vector<16xf32>,
        %parallel_loop3A_219 = arith.constant 10 : i32
        %parallel_loop3A_220 = arith.index_cast %parallel_loop3A_219 : i32 to index
        %parallel_loop3A_221 = arith.index_cast %parallel_loop3A_162 : i32 to index
        %parallel_loop3A_222 = tpu.vector_load %arg9[%parallel_loop3A_220, %parallel_loop3A_221] {strides = array<i32>} : memref<32x512xf32, #tpu.memory_space<vmem>>, vector<16xf32>,
        tpu.vector_store %arg9[%parallel_loop3A_220, %parallel_loop3A_221], %parallel_loop3A_205 {strides = array<i32>} : memref<32x512xf32, #tpu.memory_space<vmem>>, vector<16xf32>,
        %parallel_loop3A_223 = arith.constant 11 : i32
        %parallel_loop3A_224 = arith.index_cast %parallel_loop3A_223 : i32 to index
        %parallel_loop3A_225 = arith.index_cast %parallel_loop3A_162 : i32 to index
        %parallel_loop3A_226 = tpu.vector_load %arg9[%parallel_loop3A_224, %parallel_loop3A_225] {strides = array<i32>} : memref<32x512xf32, #tpu.memory_space<vmem>>, vector<16xf32>,
        tpu.vector_store %arg9[%parallel_loop3A_224, %parallel_loop3A_225], %parallel_loop3A_206 {strides = array<i32>} : memref<32x512xf32, #tpu.memory_space<vmem>>, vector<16xf32>,
        %parallel_loop3A_227 = arith.constant 12 : i32
        %parallel_loop3A_228 = arith.index_cast %parallel_loop3A_227 : i32 to index
        %parallel_loop3A_229 = arith.index_cast %parallel_loop3A_162 : i32 to index
        %parallel_loop3A_230 = tpu.vector_load %arg9[%parallel_loop3A_228, %parallel_loop3A_229] {strides = array<i32>} : memref<32x512xf32, #tpu.memory_space<vmem>>, vector<16xf32>,
        tpu.vector_store %arg9[%parallel_loop3A_228, %parallel_loop3A_229], %parallel_loop3A_207 {strides = array<i32>} : memref<32x512xf32, #tpu.memory_space<vmem>>, vector<16xf32>,
        %parallel_loop3A_231 = arith.constant 13 : i32
        %parallel_loop3A_232 = arith.index_cast %parallel_loop3A_231 : i32 to index
        %parallel_loop3A_233 = arith.index_cast %parallel_loop3A_162 : i32 to index
        %parallel_loop3A_234 = tpu.vector_load %arg9[%parallel_loop3A_232, %parallel_loop3A_233] {strides = array<i32>} : memref<32x512xf32, #tpu.memory_space<vmem>>, vector<16xf32>,
        tpu.vector_store %arg9[%parallel_loop3A_232, %parallel_loop3A_233], %parallel_loop3A_208 {strides = array<i32>} : memref<32x512xf32, #tpu.memory_space<vmem>>, vector<16xf32>,
        %parallel_loop3A_235 = arith.constant 14 : i32
        %parallel_loop3A_236 = arith.index_cast %parallel_loop3A_235 : i32 to index
        %parallel_loop3A_237 = arith.index_cast %parallel_loop3A_162 : i32 to index
        %parallel_loop3A_238 = tpu.vector_load %arg9[%parallel_loop3A_236, %parallel_loop3A_237] {strides = array<i32>} : memref<32x512xf32, #tpu.memory_space<vmem>>, vector<16xf32>,
        tpu.vector_store %arg9[%parallel_loop3A_236, %parallel_loop3A_237], %parallel_loop3A_209 {strides = array<i32>} : memref<32x512xf32, #tpu.memory_space<vmem>>, vector<16xf32>,
        %parallel_loop3A_239 = arith.constant 15 : i32
        %parallel_loop3A_240 = arith.index_cast %parallel_loop3A_239 : i32 to index
        %parallel_loop3A_241 = arith.index_cast %parallel_loop3A_162 : i32 to index
        %parallel_loop3A_242 = tpu.vector_load %arg9[%parallel_loop3A_240, %parallel_loop3A_241] {strides = array<i32>} : memref<32x512xf32, #tpu.memory_space<vmem>>, vector<16xf32>,
        tpu.vector_store %arg9[%parallel_loop3A_240, %parallel_loop3A_241], %parallel_loop3A_210 {strides = array<i32>} : memref<32x512xf32, #tpu.memory_space<vmem>>, vector<16xf32>,
        %parallel_loop3A_243 = tpu.vector_load_idx %arg7[%parallel_loop3A_159, %broadcast_in_dim3A_35] : memref<512x32xf32, #tpu.memory_space<vmem>>[vector<16xi32>, vector<16xi32>], vector<16xf32>,
        %parallel_loop3A_244 = tpu.vector_load_idx %arg7[%parallel_loop3A_159, %broadcast_in_dim3A_37] : memref<512x32xf32, #tpu.memory_space<vmem>>[vector<16xi32>, vector<16xi32>], vector<16xf32>,
        %parallel_loop3A_245 = tpu.vector_load_idx %arg7[%parallel_loop3A_159, %broadcast_in_dim3A_39] : memref<512x32xf32, #tpu.memory_space<vmem>>[vector<16xi32>, vector<16xi32>], vector<16xf32>,
        %parallel_loop3A_246 = tpu.vector_load_idx %arg7[%parallel_loop3A_159, %broadcast_in_dim3A_41] : memref<512x32xf32, #tpu.memory_space<vmem>>[vector<16xi32>, vector<16xi32>], vector<16xf32>,
        %parallel_loop3A_247 = tpu.vector_load_idx %arg7[%parallel_loop3A_159, %broadcast_in_dim3A_43] : memref<512x32xf32, #tpu.memory_space<vmem>>[vector<16xi32>, vector<16xi32>], vector<16xf32>,
        %parallel_loop3A_248 = tpu.vector_load_idx %arg7[%parallel_loop3A_159, %broadcast_in_dim3A_45] : memref<512x32xf32, #tpu.memory_space<vmem>>[vector<16xi32>, vector<16xi32>], vector<16xf32>,
        %parallel_loop3A_249 = tpu.vector_load_idx %arg7[%parallel_loop3A_159, %broadcast_in_dim3A_47] : memref<512x32xf32, #tpu.memory_space<vmem>>[vector<16xi32>, vector<16xi32>], vector<16xf32>,
        %parallel_loop3A_250 = tpu.vector_load_idx %arg7[%parallel_loop3A_159, %broadcast_in_dim3A_49] : memref<512x32xf32, #tpu.memory_space<vmem>>[vector<16xi32>, vector<16xi32>], vector<16xf32>,
        %parallel_loop3A_251 = arith.constant 16 : i32
        %parallel_loop3A_252 = arith.index_cast %parallel_loop3A_251 : i32 to index
        %parallel_loop3A_253 = arith.index_cast %parallel_loop3A_162 : i32 to index
        %parallel_loop3A_254 = tpu.vector_load %arg9[%parallel_loop3A_252, %parallel_loop3A_253] {strides = array<i32>} : memref<32x512xf32, #tpu.memory_space<vmem>>, vector<16xf32>,
        tpu.vector_store %arg9[%parallel_loop3A_252, %parallel_loop3A_253], %parallel_loop3A_243 {strides = array<i32>} : memref<32x512xf32, #tpu.memory_space<vmem>>, vector<16xf32>,
        %parallel_loop3A_255 = arith.constant 17 : i32
        %parallel_loop3A_256 = arith.index_cast %parallel_loop3A_255 : i32 to index
        %parallel_loop3A_257 = arith.index_cast %parallel_loop3A_162 : i32 to index
        %parallel_loop3A_258 = tpu.vector_load %arg9[%parallel_loop3A_256, %parallel_loop3A_257] {strides = array<i32>} : memref<32x512xf32, #tpu.memory_space<vmem>>, vector<16xf32>,
        tpu.vector_store %arg9[%parallel_loop3A_256, %parallel_loop3A_257], %parallel_loop3A_244 {strides = array<i32>} : memref<32x512xf32, #tpu.memory_space<vmem>>, vector<16xf32>,
        %parallel_loop3A_259 = arith.constant 18 : i32
        %parallel_loop3A_260 = arith.index_cast %parallel_loop3A_259 : i32 to index
        %parallel_loop3A_261 = arith.index_cast %parallel_loop3A_162 : i32 to index
        %parallel_loop3A_262 = tpu.vector_load %arg9[%parallel_loop3A_260, %parallel_loop3A_261] {strides = array<i32>} : memref<32x512xf32, #tpu.memory_space<vmem>>, vector<16xf32>,
        tpu.vector_store %arg9[%parallel_loop3A_260, %parallel_loop3A_261], %parallel_loop3A_245 {strides = array<i32>} : memref<32x512xf32, #tpu.memory_space<vmem>>, vector<16xf32>,
        %parallel_loop3A_263 = arith.constant 19 : i32
        %parallel_loop3A_264 = arith.index_cast %parallel_loop3A_263 : i32 to index
        %parallel_loop3A_265 = arith.index_cast %parallel_loop3A_162 : i32 to index
        %parallel_loop3A_266 = tpu.vector_load %arg9[%parallel_loop3A_264, %parallel_loop3A_265] {strides = array<i32>} : memref<32x512xf32, #tpu.memory_space<vmem>>, vector<16xf32>,
        tpu.vector_store %arg9[%parallel_loop3A_264, %parallel_loop3A_265], %parallel_loop3A_246 {strides = array<i32>} : memref<32x512xf32, #tpu.memory_space<vmem>>, vector<16xf32>,
        %parallel_loop3A_267 = arith.constant 20 : i32
        %parallel_loop3A_268 = arith.index_cast %parallel_loop3A_267 : i32 to index
        %parallel_loop3A_269 = arith.index_cast %parallel_loop3A_162 : i32 to index
        %parallel_loop3A_270 = tpu.vector_load %arg9[%parallel_loop3A_268, %parallel_loop3A_269] {strides = array<i32>} : memref<32x512xf32, #tpu.memory_space<vmem>>, vector<16xf32>,
        tpu.vector_store %arg9[%parallel_loop3A_268, %parallel_loop3A_269], %parallel_loop3A_247 {strides = array<i32>} : memref<32x512xf32, #tpu.memory_space<vmem>>, vector<16xf32>,
        %parallel_loop3A_271 = arith.constant 21 : i32
        %parallel_loop3A_272 = arith.index_cast %parallel_loop3A_271 : i32 to index
        %parallel_loop3A_273 = arith.index_cast %parallel_loop3A_162 : i32 to index
        %parallel_loop3A_274 = tpu.vector_load %arg9[%parallel_loop3A_272, %parallel_loop3A_273] {strides = array<i32>} : memref<32x512xf32, #tpu.memory_space<vmem>>, vector<16xf32>,
        tpu.vector_store %arg9[%parallel_loop3A_272, %parallel_loop3A_273], %parallel_loop3A_248 {strides = array<i32>} : memref<32x512xf32, #tpu.memory_space<vmem>>, vector<16xf32>,
        %parallel_loop3A_275 = arith.constant 22 : i32
        %parallel_loop3A_276 = arith.index_cast %parallel_loop3A_275 : i32 to index
        %parallel_loop3A_277 = arith.index_cast %parallel_loop3A_162 : i32 to index
        %parallel_loop3A_278 = tpu.vector_load %arg9[%parallel_loop3A_276, %parallel_loop3A_277] {strides = array<i32>} : memref<32x512xf32, #tpu.memory_space<vmem>>, vector<16xf32>,
        tpu.vector_store %arg9[%parallel_loop3A_276, %parallel_loop3A_277], %parallel_loop3A_249 {strides = array<i32>} : memref<32x512xf32, #tpu.memory_space<vmem>>, vector<16xf32>,
        %parallel_loop3A_279 = arith.constant 23 : i32
        %parallel_loop3A_280 = arith.index_cast %parallel_loop3A_279 : i32 to index
        %parallel_loop3A_281 = arith.index_cast %parallel_loop3A_162 : i32 to index
        %parallel_loop3A_282 = tpu.vector_load %arg9[%parallel_loop3A_280, %parallel_loop3A_281] {strides = array<i32>} : memref<32x512xf32, #tpu.memory_space<vmem>>, vector<16xf32>,
        tpu.vector_store %arg9[%parallel_loop3A_280, %parallel_loop3A_281], %parallel_loop3A_250 {strides = array<i32>} : memref<32x512xf32, #tpu.memory_space<vmem>>, vector<16xf32>,
        %parallel_loop3A_283 = tpu.vector_load_idx %arg7[%parallel_loop3A_159, %broadcast_in_dim3A_51] : memref<512x32xf32, #tpu.memory_space<vmem>>[vector<16xi32>, vector<16xi32>], vector<16xf32>,
        %parallel_loop3A_284 = tpu.vector_load_idx %arg7[%parallel_loop3A_159, %broadcast_in_dim3A_53] : memref<512x32xf32, #tpu.memory_space<vmem>>[vector<16xi32>, vector<16xi32>], vector<16xf32>,
        %parallel_loop3A_285 = tpu.vector_load_idx %arg7[%parallel_loop3A_159, %broadcast_in_dim3A_55] : memref<512x32xf32, #tpu.memory_space<vmem>>[vector<16xi32>, vector<16xi32>], vector<16xf32>,
        %parallel_loop3A_286 = tpu.vector_load_idx %arg7[%parallel_loop3A_159, %broadcast_in_dim3A_57] : memref<512x32xf32, #tpu.memory_space<vmem>>[vector<16xi32>, vector<16xi32>], vector<16xf32>,
        %parallel_loop3A_287 = tpu.vector_load_idx %arg7[%parallel_loop3A_159, %broadcast_in_dim3A_59] : memref<512x32xf32, #tpu.memory_space<vmem>>[vector<16xi32>, vector<16xi32>], vector<16xf32>,
        %parallel_loop3A_288 = tpu.vector_load_idx %arg7[%parallel_loop3A_159, %broadcast_in_dim3A_61] : memref<512x32xf32, #tpu.memory_space<vmem>>[vector<16xi32>, vector<16xi32>], vector<16xf32>,
        %parallel_loop3A_289 = tpu.vector_load_idx %arg7[%parallel_loop3A_159, %broadcast_in_dim3A_63] : memref<512x32xf32, #tpu.memory_space<vmem>>[vector<16xi32>, vector<16xi32>], vector<16xf32>,
        %parallel_loop3A_290 = tpu.vector_load_idx %arg7[%parallel_loop3A_159, %broadcast_in_dim3A_65] : memref<512x32xf32, #tpu.memory_space<vmem>>[vector<16xi32>, vector<16xi32>], vector<16xf32>,
        %parallel_loop3A_291 = arith.constant 24 : i32
        %parallel_loop3A_292 = arith.index_cast %parallel_loop3A_291 : i32 to index
        %parallel_loop3A_293 = arith.index_cast %parallel_loop3A_162 : i32 to index
        %parallel_loop3A_294 = tpu.vector_load %arg9[%parallel_loop3A_292, %parallel_loop3A_293] {strides = array<i32>} : memref<32x512xf32, #tpu.memory_space<vmem>>, vector<16xf32>,
        tpu.vector_store %arg9[%parallel_loop3A_292, %parallel_loop3A_293], %parallel_loop3A_283 {strides = array<i32>} : memref<32x512xf32, #tpu.memory_space<vmem>>, vector<16xf32>,
        %parallel_loop3A_295 = arith.constant 25 : i32
        %parallel_loop3A_296 = arith.index_cast %parallel_loop3A_295 : i32 to index
        %parallel_loop3A_297 = arith.index_cast %parallel_loop3A_162 : i32 to index
        %parallel_loop3A_298 = tpu.vector_load %arg9[%parallel_loop3A_296, %parallel_loop3A_297] {strides = array<i32>} : memref<32x512xf32, #tpu.memory_space<vmem>>, vector<16xf32>,
        tpu.vector_store %arg9[%parallel_loop3A_296, %parallel_loop3A_297], %parallel_loop3A_284 {strides = array<i32>} : memref<32x512xf32, #tpu.memory_space<vmem>>, vector<16xf32>,
        %parallel_loop3A_299 = arith.constant 26 : i32
        %parallel_loop3A_300 = arith.index_cast %parallel_loop3A_299 : i32 to index
        %parallel_loop3A_301 = arith.index_cast %parallel_loop3A_162 : i32 to index
        %parallel_loop3A_302 = tpu.vector_load %arg9[%parallel_loop3A_300, %parallel_loop3A_301] {strides = array<i32>} : memref<32x512xf32, #tpu.memory_space<vmem>>, vector<16xf32>,
        tpu.vector_store %arg9[%parallel_loop3A_300, %parallel_loop3A_301], %parallel_loop3A_285 {strides = array<i32>} : memref<32x512xf32, #tpu.memory_space<vmem>>, vector<16xf32>,
        %parallel_loop3A_303 = arith.constant 27 : i32
        %parallel_loop3A_304 = arith.index_cast %parallel_loop3A_303 : i32 to index
        %parallel_loop3A_305 = arith.index_cast %parallel_loop3A_162 : i32 to index
        %parallel_loop3A_306 = tpu.vector_load %arg9[%parallel_loop3A_304, %parallel_loop3A_305] {strides = array<i32>} : memref<32x512xf32, #tpu.memory_space<vmem>>, vector<16xf32>,
        tpu.vector_store %arg9[%parallel_loop3A_304, %parallel_loop3A_305], %parallel_loop3A_286 {strides = array<i32>} : memref<32x512xf32, #tpu.memory_space<vmem>>, vector<16xf32>,
        %parallel_loop3A_307 = arith.constant 28 : i32
        %parallel_loop3A_308 = arith.index_cast %parallel_loop3A_307 : i32 to index
        %parallel_loop3A_309 = arith.index_cast %parallel_loop3A_162 : i32 to index
        %parallel_loop3A_310 = tpu.vector_load %arg9[%parallel_loop3A_308, %parallel_loop3A_309] {strides = array<i32>} : memref<32x512xf32, #tpu.memory_space<vmem>>, vector<16xf32>,
        tpu.vector_store %arg9[%parallel_loop3A_308, %parallel_loop3A_309], %parallel_loop3A_287 {strides = array<i32>} : memref<32x512xf32, #tpu.memory_space<vmem>>, vector<16xf32>,
        %parallel_loop3A_311 = arith.constant 29 : i32
        %parallel_loop3A_312 = arith.index_cast %parallel_loop3A_311 : i32 to index
        %parallel_loop3A_313 = arith.index_cast %parallel_loop3A_162 : i32 to index
        %parallel_loop3A_314 = tpu.vector_load %arg9[%parallel_loop3A_312, %parallel_loop3A_313] {strides = array<i32>} : memref<32x512xf32, #tpu.memory_space<vmem>>, vector<16xf32>,
        tpu.vector_store %arg9[%parallel_loop3A_312, %parallel_loop3A_313], %parallel_loop3A_288 {strides = array<i32>} : memref<32x512xf32, #tpu.memory_space<vmem>>, vector<16xf32>,
        %parallel_loop3A_315 = arith.constant 30 : i32
        %parallel_loop3A_316 = arith.index_cast %parallel_loop3A_315 : i32 to index
        %parallel_loop3A_317 = arith.index_cast %parallel_loop3A_162 : i32 to index
        %parallel_loop3A_318 = tpu.vector_load %arg9[%parallel_loop3A_316, %parallel_loop3A_317] {strides = array<i32>} : memref<32x512xf32, #tpu.memory_space<vmem>>, vector<16xf32>,
        tpu.vector_store %arg9[%parallel_loop3A_316, %parallel_loop3A_317], %parallel_loop3A_289 {strides = array<i32>} : memref<32x512xf32, #tpu.memory_space<vmem>>, vector<16xf32>,
        %parallel_loop3A_319 = arith.constant 31 : i32
        %parallel_loop3A_320 = arith.index_cast %parallel_loop3A_319 : i32 to index
        %parallel_loop3A_321 = arith.index_cast %parallel_loop3A_162 : i32 to index
        %parallel_loop3A_322 = tpu.vector_load %arg9[%parallel_loop3A_320, %parallel_loop3A_321] {strides = array<i32>} : memref<32x512xf32, #tpu.memory_space<vmem>>, vector<16xf32>,
        tpu.vector_store %arg9[%parallel_loop3A_320, %parallel_loop3A_321], %parallel_loop3A_290 {strides = array<i32>} : memref<32x512xf32, #tpu.memory_space<vmem>>, vector<16xf32>,
      } {sc.loop_unroll_factor = 2 : i64, sc.parallel_access}
      %add3A_142 = arith.constant 2 : i32
      %add3A_143 = arith.addi %add3A_127, %add3A_142 : i32
      %lt3A_144 = arith.constant 50 : i32
      %lt3A_145 = arith.cmpi slt, %add3A_143, %lt3A_144 : i32
      %convert_element_type3A_146 = arith.extui %lt3A_145 : i1 to i32
      %cond3A_147 = arith.constant 0 : i32
      %cond3A_148 = arith.cmpi ne, %convert_element_type3A_146, %cond3A_147 : i32
      scf.if %cond3A_148 {
        %add3A_155 = arith.constant 2 : i32
        %add3A_156 = arith.addi %add3A_127, %add3A_155 : i32
        %dma_start3A_157 = arith.constant 0 : i32
        %dma_start3A_158 = tpu.memref_slice %arg5[%add3A_156, %dma_start3A_157] : memref<50x512xi32, #tpu.memory_space<vmem>> -> memref<1x512xi32, #tpu.memory_space<vmem>>
        %dma_start3A_159 = tpu.memref_squeeze %dma_start3A_158 : memref<1x512xi32, #tpu.memory_space<vmem>> -> memref<512xi32, #tpu.memory_space<vmem>>
        %dma_start3A_160 = arith.constant 0 : i32
        %dma_start3A_161 = arith.constant 0 : i32
        %dma_start3A_162 = tpu.memref_slice %arg3[%dma_start3A_160, %dma_start3A_161] : memref<1000000x32xf32, #tpu.memory_space<hbm>> -> memref<1000000x32xf32, #tpu.memory_space<hbm>>
        tpu.enqueue_indirect_dma source(%dma_start3A_162 : memref<1000000x32xf32, #tpu.memory_space<hbm>>) target(%arg7 : memref<512x32xf32, #tpu.memory_space<vmem>>) offsets(%dma_start3A_159 : memref<512xi32, #tpu.memory_space<vmem>>) semaphore(%arg11 : memref<!tpu.dma_semaphore, #tpu.memory_space<semaphore_mem>>)
      } else {
      }
      %dma_start3A_149 = arith.constant 0 : i32
      %dma_start3A_150 = tpu.memref_slice %arg4[%add3A_127, %dma_start3A_149, %mul3A_2] : memref<50x32x16384xf32, #tpu.memory_space<hbm>> -> memref<1x32x512xf32, #tpu.memory_space<hbm>>
      %dma_start3A_151 = tpu.memref_squeeze %dma_start3A_150 : memref<1x32x512xf32, #tpu.memory_space<hbm>> -> memref<32x512xf32, #tpu.memory_space<hbm>>
      %dma_start3A_152 = arith.constant 0 : i32
      %dma_start3A_153 = tpu.memref_slice %arg4[%add3A_127, %dma_start3A_152, %mul3A_2] : memref<50x32x16384xf32, #tpu.memory_space<hbm>> -> memref<1x32x512xf32, #tpu.memory_space<hbm>>
      %dma_start3A_154 = tpu.memref_squeeze %dma_start3A_153 : memref<1x32x512xf32, #tpu.memory_space<hbm>> -> memref<32x512xf32, #tpu.memory_space<hbm>>
      tpu.enqueue_dma source(%arg9 : memref<32x512xf32, #tpu.memory_space<vmem>>) target(%dma_start3A_154 : memref<32x512xf32, #tpu.memory_space<hbm>>) target_semaphore(%arg13 : memref<!tpu.dma_semaphore, #tpu.memory_space<semaphore_mem>>)
    }
    %scan3A_83 = arith.constant 25 : i32
    %dma_wait3A = arith.constant 48 : i32
    %dma_wait3A_84 = arith.constant 0 : i32
    %dma_wait3A_85 = tpu.memref_slice %arg4[%dma_wait3A, %dma_wait3A_84, %mul3A_2] : memref<50x32x16384xf32, #tpu.memory_space<hbm>> -> memref<1x32x512xf32, #tpu.memory_space<hbm>>
    %dma_wait3A_86 = tpu.memref_squeeze %dma_wait3A_85 : memref<1x32x512xf32, #tpu.memory_space<hbm>> -> memref<32x512xf32, #tpu.memory_space<hbm>>
    %dma_wait3A_87 = arith.constant 0 : i32
    %dma_wait3A_88 = tpu.memref_slice %arg4[%dma_wait3A, %dma_wait3A_87, %mul3A_2] : memref<50x32x16384xf32, #tpu.memory_space<hbm>> -> memref<1x32x512xf32, #tpu.memory_space<hbm>>
    %dma_wait3A_89 = tpu.memref_squeeze %dma_wait3A_88 : memref<1x32x512xf32, #tpu.memory_space<hbm>> -> memref<32x512xf32, #tpu.memory_space<hbm>>
    tpu.wait_dma2 semaphore(%arg12 : memref<!tpu.dma_semaphore, #tpu.memory_space<semaphore_mem>>) src(%arg8 : memref<32x512xf32, #tpu.memory_space<vmem>>) dst(%dma_wait3A_89 : memref<32x512xf32, #tpu.memory_space<hbm>>)
    %dma_wait3A_90 = arith.constant 49 : i32
    %dma_wait3A_91 = arith.constant 0 : i32
    %dma_wait3A_92 = tpu.memref_slice %arg4[%dma_wait3A_90, %dma_wait3A_91, %mul3A_2] : memref<50x32x16384xf32, #tpu.memory_space<hbm>> -> memref<1x32x512xf32, #tpu.memory_space<hbm>>
    %dma_wait3A_93 = tpu.memref_squeeze %dma_wait3A_92 : memref<1x32x512xf32, #tpu.memory_space<hbm>> -> memref<32x512xf32, #tpu.memory_space<hbm>>
    %dma_wait3A_94 = arith.constant 0 : i32
    %dma_wait3A_95 = tpu.memref_slice %arg4[%dma_wait3A_90, %dma_wait3A_94, %mul3A_2] : memref<50x32x16384xf32, #tpu.memory_space<hbm>> -> memref<1x32x512xf32, #tpu.memory_space<hbm>>
    %dma_wait3A_96 = tpu.memref_squeeze %dma_wait3A_95 : memref<1x32x512xf32, #tpu.memory_space<hbm>> -> memref<32x512xf32, #tpu.memory_space<hbm>>
    tpu.wait_dma2 semaphore(%arg13 : memref<!tpu.dma_semaphore, #tpu.memory_space<semaphore_mem>>) src(%arg9 : memref<32x512xf32, #tpu.memory_space<vmem>>) dst(%dma_wait3A_96 : memref<32x512xf32, #tpu.memory_space<hbm>>)
    return
  }
}

</mosaic_0001>

<sc_bundles>
// kernel: kernel.3.cloned.1.call-start
scs
__scs_entry_jumppad:
0x0: {  	(pc) =	sbr.rel $0x88, $3  }
0x1: {  	(tag) =	ssettag $0x0;
	lr =	simm.s32 $0x1  }
0x2: {  	[smem:$0x3F9F] =	sst lr;
	_ =	strace $0xD0000000  }
0x3: {  	_ = 	snop  }
0x4: {  	_ = 	snop  }
0x5: {  	_ = 	snop  }
0x6: {  	_ = 	snop  }
0x7: {  	_ = 	snop  }
__scs_overlays_trampoline_lowered:
0x8: {  	[smem:$0x3FAE] =	sst s0  }
0x9: {  	[smem:$0x3FAF] =	sst s1  }
0xa: {  	[smem:$0x3FB0] =	sst s2  }
0xb: {  	[smem:$0x3FB1] =	sst s3  }
0xc: {  	[smem:$0x3FB2] =	sst s4  }
0xd: {  	[smem:$0x3FB3] =	sst s5  }
0xe: {  	[smem:$0x3FB4] =	sst s6  }
0xf: {  	[smem:$0x3FB5] =	sst s7  }
0x10: {  	[smem:$0x3FB6] =	sst s8  }
0x11: {  	[smem:$0x3FB7] =	sst s9;
	s0 =	simm.s32 @!p0 $0x0  }
0x12: {  	s1 =	sld [smem:$0x3F9D];
	s0 =	simm.s32 @p0 $0x1  }
0x13: {  	[smem:$0x3FB8] =	sst s0;
	s0 =	simm.s32 @!p1 $0x0  }
0x14: {  	s2 =	sld [smem:$0x3F9C];
	s0 =	simm.s32 @p1 $0x1  }
0x15: {  	[smem:$0x3FB9] =	sst s0;
	s0 =	simm.s32 @!p2 $0x0  }
0x16: {  	s3 =	sld [smem:$0x3FDB];
	s0 =	simm.s32 @p2 $0x1  }
0x17: {  	s4 =	simm.s32 $0x1BF5;
	[smem:$0x3FBB] =	sst s0  }
0x18: {  	s0 =	sld [smem:$0x3F9E];
	_ =	swait.ge [sflag:s4], $0x0  }
0x19: {  	s7 =	sld [smem:$0x3F9F]  }
0x1a: {  	s8 =	sadd.s32 $0xFFFFE003, lr  }
0x1b: {  	s9 =	sadd.s32 $0xFFFFFEF7, lr;
	s5 =	simm.s32 $0xFFFFFFFF;
	p2 =	slt.u32 s8, $0xFFFFF086  }
0x1c: {  	p1 =	slt.u32 s9, $0xF7A;
	s5 =	simm.s32 @!p2 $0x0  }
0x1d: {  	s5 =	simm.s32 @p1 $0x1;
	p0 =	seq.s32 s7, s2  }
0x1e: {  	s7 =	smul.u32 @!p0 $0xF7A, s2;
	p2 =	seq.s32 @!p0 s5, $0x0  }
0x1f: {  	s9 =	smul.u32 $0xF7A, s1;
	s8 =	simm.s32 @!p0 $0x1BF5;
	p2 =	por !p2, p0  }
0x20: {  	[sflag:s8] =	ssyncset.s32 @!p0 $0xFFFFF086;
	s6 =	sadd.s32 @!p0 s3, s7;
	s7 =	simm.s32 @!p0 $0x108  }
0x21: {  	s3 =	sadd.s32 s3, s9;
	s6 =	sadd.s32 @!p0 $0x88, s6;
	s7 =	simm.s32 @p2 $0x1082  }
0x22: {  	[simem:s7], [sflag:s8] =	dma.local @!p0 [hbm:s6], $0xF7A  }
0x23: {  	s9 =	sor.u32 $0xD0000000, s2;
	s6 =	simm.s32 $0x108;
	_ =	swait.ge @!p0 [sflag:s8], $0x0  }
0x24: {  	s3 =	sadd.s32 $0x88, s3;
	s6 =	simm.s32 @!p1 $0x1082;
	[sflag:s4] =	ssyncset.s32 $0xFFFFF086  }
0x25: {  	[simem:s6], [sflag:s4] =	dma.local [hbm:s3], $0xF7A  }
0x26: {  	[smem:$0x3F9F] =	sst s1;
	(tag) =	ssettag s2;
	_ =	strace s9  }
0x27: {  	s1 =	sld [smem:$0x3FAF]  }
0x28: {  	s2 =	sld [smem:$0x3FB0]  }
0x29: {  	s4 =	sld [smem:$0x3FB2]  }
0x2a: {  	p0 =	seq.s32 s5, $0x0;
	s5 =	sld [smem:$0x3FB3]  }
0x2b: {  	s6 =	sld [smem:$0x3FB4]  }
0x2c: {  	s7 =	sld [smem:$0x3FB5]  }
0x2d: {  	s3 =	simm.s32 $0x108;
	s8 =	sld [smem:$0x3FB6]  }
0x2e: {  	s3 =	simm.s32 @!p0 $0x1082;
	s9 =	sld [smem:$0x3FB7]  }
0x2f: {  	lr =	sadd.s32 s0, s3;
	s0 =	sld [smem:$0x3FAE]  }
0x30: {  	s3 =	sld [smem:$0x3FB1]  }
0x31: {  	[smem:$0x3FBA] =	sst s10  }
0x32: {  	s10 =	sld [smem:$0x3FB8];
	_ =	sdelay $0x3  }
0x33: {  	p0 =	seq.s32 s10, $0x1;
	s10 =	sld [smem:$0x3FBA];
	_ =	sdelay $0x3  }
0x34: {  	[smem:$0x3FBA] =	sst s10  }
0x35: {  	s10 =	sld [smem:$0x3FB9];
	_ =	sdelay $0x3  }
0x36: {  	p1 =	seq.s32 s10, $0x1;
	s10 =	sld [smem:$0x3FBA];
	_ =	sdelay $0x3  }
0x37: {  	[smem:$0x3FBA] =	sst s10  }
0x38: {  	s10 =	sld [smem:$0x3FBB]  }
0x39: {  	_ = 	snop;
	(pc) =	sbr.ind lr, $3  }
0x3a: {  	_ = 	snop  }
0x3b: {  	_ = 	snop  }
0x3c: {  	p2 =	seq.s32 s10, $0x1;
	s10 =	sld [smem:$0x3FBA]  }
0x3d: {  	_ =	shalt  }
0x3e: {  	_ =	shalt  }
0x3f: {  	_ =	shalt  }
0x40: {  	_ =	shalt  }
0x41: {  	_ =	shalt  }
0x42: {  	_ =	shalt  }
0x43: {  	_ =	shalt  }
0x44: {  	_ =	shalt  }
0x45: {  	_ =	shalt  }
0x46: {  	_ =	shalt  }
0x47: {  	_ =	shalt  }
0x48: {  	_ =	shalt  }
0x49: {  	_ =	shalt  }
0x4a: {  	_ =	shalt  }
0x4b: {  	_ =	shalt  }
0x4c: {  	_ =	shalt  }
0x4d: {  	_ =	shalt  }
0x4e: {  	_ =	shalt  }
0x4f: {  	_ =	shalt  }
0x50: {  	_ =	shalt  }
0x51: {  	_ =	shalt  }
0x52: {  	_ =	shalt  }
0x53: {  	_ =	shalt  }
0x54: {  	_ =	shalt  }
0x55: {  	_ =	shalt  }
0x56: {  	_ =	shalt  }
0x57: {  	_ =	shalt  }
0x58: {  	_ =	shalt  }
0x59: {  	_ =	shalt  }
0x5a: {  	_ =	shalt  }
0x5b: {  	_ =	shalt  }
0x5c: {  	_ =	shalt  }
0x5d: {  	_ =	shalt  }
0x5e: {  	_ =	shalt  }
0x5f: {  	_ =	shalt  }
0x60: {  	_ =	shalt  }
0x61: {  	_ =	shalt  }
0x62: {  	_ =	shalt  }
0x63: {  	_ =	shalt  }
0x64: {  	_ =	shalt  }
0x65: {  	_ =	shalt  }
0x66: {  	_ =	shalt  }
0x67: {  	_ =	shalt  }
0x68: {  	_ =	shalt  }
0x69: {  	_ =	shalt  }
0x6a: {  	_ =	shalt  }
0x6b: {  	_ =	shalt  }
0x6c: {  	_ =	shalt  }
0x6d: {  	_ =	shalt  }
0x6e: {  	_ =	shalt  }
0x6f: {  	_ =	shalt  }
0x70: {  	_ =	shalt  }
0x71: {  	_ =	shalt  }
0x72: {  	_ =	shalt  }
0x73: {  	_ =	shalt  }
0x74: {  	_ =	shalt  }
0x75: {  	_ =	shalt  }
0x76: {  	_ =	shalt  }
0x77: {  	_ =	shalt  }
0x78: {  	_ =	shalt  }
0x79: {  	_ =	shalt  }
0x7a: {  	_ =	shalt  }
0x7b: {  	_ =	shalt  }
0x7c: {  	_ =	shalt  }
0x7d: {  	_ =	shalt  }
0x7e: {  	_ =	shalt  }
0x7f: {  	_ =	shalt  }
0x80: {  	_ =	shalt  }
0x81: {  	_ =	shalt  }
0x82: {  	_ =	shalt  }
0x83: {  	_ =	shalt  }
0x84: {  	_ =	shalt  }
0x85: {  	_ =	shalt  }
0x86: {  	_ =	shalt  }
0x87: {  	_ =	shalt  }
.Lfunc_end0:
.L_simem_size_0:
called_computation_lowered:
.L_overlay_start_0:
0x88: {  	s2 =	sld [smem:$0x3FD9]  }
0x89: {  	s3 =	sld [smem:$0x3FFE];
	_ =	sdelay $0x1  }
0x8a: {  	s1 =	srdreg.scid  }
0x8b: {  	s0 =	sand.u32 $0x1, s1  }
0x8c: {  	s17 =	sshll.u32 s0, $0xA;
	s2 =	sadd.s32 s3, s2  }
0x8d: {  	s2 =	sadd.s32 s2, s17  }
0x8e: {  	[smem:$0x3FC6] =	sst s2  }
0x8f: {  	_ = 	snop  }
0x90: {  	s2 =	sld [smem:$0x3FD0];
	(tm) =	ssettm $0x1  }
0x91: {  	s18 =	sld [smem:$0x3FFB];
	_ =	sdelay $0x3  }
0x92: {  	_ =	strace s18  }
0x93: {  	s3 =	sld [smem:$0x3FFC];
	_ =	sdelay $0x3  }
0x94: {  	_ =	strace s3  }
0x95: {  	s3 =	sld [smem:$0x3FFD];
	_ =	sdelay $0x3  }
0x96: {  	_ =	strace s3  }
0x97: {  	_ =	strace $0x8FFFFFFF  }
0x98: {  	s19 =	sld [smem:$0x3FDB];
	_ =	sdelay $0x1  }
0x99: {  	s4 =	simm.s32 $_scs_section_size  }
0x9a: {  	s5 =	simm.s32 $_size__tile_overlayer_lowered;
	s6 =	simm.s32 $_tile_overlayer_lowered  }
0x9b: {  	s22 =	simm.s32 $0x1BFF;
	s21 =	sshll.u32 s6, $0x1;
	s3 =	sadd.s32 s4, s19  }
0x9c: {  	s7 =	simm.s32 $0x0;
	s20 =	sshll.u32 s5, $0x1;
	s5 =	sadd.s32 s21, s3  }
0x9d: {  	[timem:s7], [sflag:s22] =	dma.local [hbm:s5], s20  }
0x9e: {  	_ =	swait.ge [sflag:s22], s20  }
0x9f: {  	s4 =	ssub.s32 $0x0, s20;
	[sflag:s22] =	ssyncset.done $0x0  }
0xa0: {  	[sflag:s22] =	ssyncadd.s32 s4;
	_ =	sdelay $0x1  }
0xa1: {  	s23 =	simm.s32 $0x1B8B  }
0xa2: {  	_ =	swait.ge [sflag:s23], $0x1  }
0xa3: {  	[sflag:s23] =	ssyncset.done $0x0  }
0xa4: {  	s25 =	simm.s32 $0x1B8E;
	s24 =	sld [smem:$0x3FFE];
	[sflag:s23] =	ssyncadd.s32 $0xFFFFFFFF  }
0xa5: {  	s26 =	simm.s32 $execute0_lowered;
	[smem:$0x3FD2] =	sst s25  }
0xa6: {  	s5 =	sshll.u32 s26, $0x1;
	_ =	strace $0x80000046;
	[dreg:$0x1] =	wrdreg $0xFFFFFFFF  }
0xa7: {  	s28 =	simm.s32 $_size_execute0_lowered;
	s3 =	sadd.s32 s3, s5;
	[dreg:$0x0] =	wrdreg $0x0  }
0xa8: {  	s5 =	sshll.u32 s28, $0x1;
	[dreg:$0x2] =	wrdreg s3  }
0xa9: {  	[dreg:$0x3] =	wrdreg s5  }
0xaa: {  	[dreg:$0x4] =	wrdreg $0xC0  }
0xab: {  	_ =	task [dreg:s7], $0x5FFFF  }
0xac: {  	[dreg:$0x1] =	wrdreg $0xFFFFFFFF  }
0xad: {  	[dreg:$0x0] =	wrdreg $0x60  }
0xae: {  	[dreg:$0x2] =	wrdreg s2  }
0xaf: {  	[dreg:$0x3] =	wrdreg s24  }
0xb0: {  	[dreg:$0x4] =	wrdreg $0x9  }
0xb1: {  	_ =	task.clear_ibuf [dreg:s7], $0x5FFFF;
	_ =	strace $0x90000046  }
0xb2: {  	s29 =	simm.s32 $0x9;
	_ =	strace $0x80000048  }
0xb3: {  	_ =	swait.ge [sflag:s29], $0x1  }
0xb4: {  	[sflag:s29] =	ssyncadd.s32 $0xFFFFFFFF  }
0xb5: {  	_ =	strace $0x90000048  }
0xb6: {  	_ =	sfence  }
0xb7: {  	s30 =	sld [smem:$0x0];
	_ =	sdelay $0x2  }
0xb8: {  	s31 =	sshll.u32 s1, $0xD;
	s1 =	sshrl.u32 s1, $0x2  }
0xb9: {  	s3 =	sand.u32 $0x4000, s31;
	s1 =	sadd.s32 s1, s30  }
0xba: {  	s0 =	sor.u32 s3, s0;
	s1 =	sshll.u32 s1, $0x11  }
0xbb: {  	s0 =	sor.u32 s1, s0  }
0xbc: {  	s0 =	sadd.s32 $0x8F2B, s0  }
0xbd: {  	[sflag:s0] =	ssyncadd.remote.s32 $0x1  }
0xbe: {  	_ =	sfence.sel $0xFFFF  }
0xbf: {  	[dreg:$0x0] =	wrdreg $0xFFFFFFFF;
	(pc) =	sbr.abs _section_cstart, $3  }
0xc0: {  	[dreg:$0x1] =	wrdreg $0xFFFFFFFF  }
0xc1: {  	_ =	task.clear_ibuf [dreg:s7], $0x2FFFF;
	_ =	strace $0x9FFFFFFF  }
0xc2: {  	(tm) =	ssettm $0x7FFFFFFF  }
0xc3: {  	_ =	shalt  }
tec
execute0_lowered:
.L_overlay_start_1:
0x0: {  	(tag) =	ssettag $0x1  }
0x1: {  	s6 =	rddreg [dreg:$0x0]  }
0x2: {  	s7 =	rddreg [dreg:$0x1]  }
0x3: {  	s0 =	rddreg [dreg:$0x2]  }
0x4: {  	s2 =	simm.s32 $0x0;
	s3 =	srdreg.scid;
	s1 =	stileid.u32  }
0x5: {  	s10 =	simm.s32 $0x4000;
	s11 =	simm.s32 $0x5;
	s12 =	simm.s32 $0x6400  }
0x6: {  	s13 =	simm.s32 $0xA400;
	s14 =	simm.s32 $0x1;
	s15 =	simm.s32 $0xE400  }
0x7: {  	s16 =	simm.s32 $0x2;
	s17 =	simm.s32 $0x12400;
	s18 =	simm.s32 $0x3  }
0x8: {  	s19 =	simm.s32 $0x4;
	s20 =	simm.s32 $0x0;
	[smem:$0x7FF] =	sst s2  }
0x9: {  	s3 =	sand.u32 $0x1, s3;
	s4 =	sshll.u32 s1, $0xA;
	_ =	strace $0x80000047  }
0xa: {  	v0 =	vlaneseq.u32;
	s8 =	ssub.s32 $0x2, s3;
	s5 =	sshll.u32 s3, $0x9;
	s3 =	sadd.s32 $0xF42A00, s7  }
0xb: {  	v31 =	vmul.u32 $0x20, v0;
	s9 =	sshrl.u32 s8, $0x1;
	s4 =	sor.u32 s5, s4;
	s5 =	sadd.s32 $0x600, s7  }
0xc: {  	s7 =	sadd.s32 $0x10600, s7;
	s8 =	ssub.s32 s8, s9;
	s31 =	sshrl.u32 s4, $0x3  }
0xd: {  	[tilespmem:$0x1FFF0] =	vst v31;
	s9 =	simm.s32 $0x200;
	s6 =	sadd.s32 s6, s31;
	s8 =	smax.u32 s8, $0x1  }
.LBB2_1:
0xe: {  	[tilespmem:s2], [sflag:$0x5] =	stream.strided.gather [hbm4b:s6+s9], $0x6400, s10, s9, $0x38;
	[tilespmem:$0x16400] =	vst v63  }
0xf: {  	_ =	swait.ge [sflag:s11], $0x6400  }
0x10: {  	[sflag:s11] =	ssyncset.done $0x0  }
0x11: {  	[sflag:s11] =	ssyncadd.s32 $0xFFFF9C00  }
0x12: {  	[tilespmem:s12], [sflag:$0x1] =	stream.indirect.gather [hbm4b:s3+s9], $0x20, s2, s9, $0xb8;
	[tilespmem:$0x16400] =	vst v63  }
0x13: {  	s21 =	simm.s32 $0x0  }
0x14: {  	[tilespmem:s13], [sflag:$0x2] =	stream.indirect.gather [hbm4b:s3+s9], $0x20, s9, s9, $0xb8;
	[tilespmem:$0x16400] =	vst v63  }
.LBB2_2:
0x15: {  	s22 =	simm.s32 $0x10  }
0x16: {  	v1 =	vmov s22  }
0x17: {  	_ =	swait.ge [sflag:s14], $0x4000;
	v1 =	vshll.u32 v1, $0x5  }
0x18: {  	p0 =	seq.s32 s21, $0x0;
	[sflag:s14] =	ssyncset.done $0x0;
	v4 =	vor.u32 v31, v1  }
0x19: {  	s22 =	simm.s32 @!p0 $0x3;
	[sflag:s14] =	ssyncadd.s32 $0xFFFFC000;
	v1 =	vor.u32 $0x1, v4  }
0x1a: {  	_ =	swait.ge @!p0 [sflag:s22], $0x4000;
	v2 =	vor.u32 $0x2, v4  }
0x1b: {  	[sflag:s22] =	ssyncset.done @!p0 $0x0;
	v3 =	vor.u32 $0x3, v4  }
0x1c: {  	v5 =	vor.u32 $0x4, v4;
	[sflag:s22] =	ssyncadd.s32 @!p0 $0xFFFFC000  }
0x1d: {  	v7 =	vor.u32 $0x5, v4;
	v6 =	vld.idx.msk [tilespmem:v4+s12+$0x0], $0xffff  }
0x1e: {  	v8 =	vor.u32 $0x6, v4;
	v1 =	vld.idx.msk [tilespmem:v1+s12+$0x0], $0xffff  }
0x1f: {  	v9 =	vor.u32 $0x7, v4;
	v2 =	vld.idx.msk [tilespmem:v2+s12+$0x0], $0xffff  }
0x20: {  	v3 =	vld.idx.msk [tilespmem:v3+s12+$0x0], $0xffff  }
0x21: {  	v5 =	vld.idx.msk [tilespmem:v5+s12+$0x0], $0xffff  }
0x22: {  	v7 =	vld.idx.msk [tilespmem:v7+s12+$0x0], $0xffff  }
0x23: {  	s22 =	simm.s32 $0x10400;
	v8 =	vld.idx.msk [tilespmem:v8+s12+$0x0], $0xffff  }
0x24: {  	v9 =	vld.idx.msk [tilespmem:v9+s12+$0x0], $0xffff;
	[tilespmem:s22+$0xFFFFE010] =	vst v6  }
0x25: {  	[tilespmem:s22+$0xFFFFE210] =	vst v1  }
0x26: {  	[tilespmem:s22+$0xFFFFE410] =	vst v2  }
0x27: {  	v11 =	vor.u32 $0xF, v4;
	[tilespmem:s22+$0xFFFFE610] =	vst v3  }
0x28: {  	v6 =	vor.u32 $0xC, v4;
	[tilespmem:s22+$0xFFFFE810] =	vst v5  }
0x29: {  	v1 =	vor.u32 $0x8, v4;
	[tilespmem:s22+$0xFFFFEA10] =	vst v7  }
0x2a: {  	v2 =	vor.u32 $0x9, v4;
	[tilespmem:s22+$0xFFFFEC10] =	vst v8  }
0x2b: {  	v3 =	vor.u32 $0xA, v4;
	[tilespmem:s22+$0xFFFFEE10] =	vst v9  }
0x2c: {  	v5 =	vor.u32 $0xB, v4;
	v11 =	vld.idx.msk [tilespmem:v11+s12+$0x0], $0xffff  }
0x2d: {  	s23 =	simm.s32 $0x0;
	v7 =	vor.u32 $0xD, v4;
	v6 =	vld.idx.msk [tilespmem:v6+s12+$0x0], $0xffff  }
0x2e: {  	v8 =	vmov s23;
	v9 =	vor.u32 $0xE, v4;
	v1 =	vld.idx.msk [tilespmem:v1+s12+$0x0], $0xffff  }
0x2f: {  	v8 =	vshll.u32 v8, $0x5;
	v2 =	vld.idx.msk [tilespmem:v2+s12+$0x0], $0xffff  }
0x30: {  	v10 =	vld.idx.msk [tilespmem:v3+s12+$0x0], $0xffff;
	v3 =	vor.u32 v31, v8  }
0x31: {  	v5 =	vld.idx.msk [tilespmem:v5+s12+$0x0], $0xffff;
	v8 =	vor.u32 $0x1, v3  }
0x32: {  	v7 =	vld.idx.msk [tilespmem:v7+s12+$0x0], $0xffff;
	v12 =	vor.u32 $0x2, v3  }
0x33: {  	v9 =	vld.idx.msk [tilespmem:v9+s12+$0x0], $0xffff;
	v13 =	vor.u32 $0x3, v3;
	[tilespmem:s22+$0xFFFFFE10] =	vst v11  }
0x34: {  	v14 =	vor.u32 $0x4, v3;
	[tilespmem:s22+$0xFFFFF810] =	vst v6  }
0x35: {  	v15 =	vor.u32 $0x5, v3;
	v16 =	vld.idx.msk [tilespmem:v3+s12+$0x0], $0xffff;
	[tilespmem:s22+$0xFFFFF010] =	vst v1  }
0x36: {  	v11 =	vor.u32 $0x14, v4;
	[tilespmem:s22+$0xFFFFF210] =	vst v2;
	v8 =	vld.idx.msk [tilespmem:v8+s12+$0x0], $0xffff  }
0x37: {  	v1 =	vor.u32 $0x6, v3;
	[tilespmem:s22+$0xFFFFF410] =	vst v10;
	v12 =	vld.idx.msk [tilespmem:v12+s12+$0x0], $0xffff  }
0x38: {  	v2 =	vor.u32 $0x7, v3;
	[tilespmem:s22+$0xFFFFF610] =	vst v5;
	v10 =	vld.idx.msk [tilespmem:v13+s12+$0x0], $0xffff  }
0x39: {  	v6 =	vor.u32 $0x11, v4;
	[tilespmem:s22+$0xFFFFFA10] =	vst v7;
	v13 =	vld.idx.msk [tilespmem:v14+s12+$0x0], $0xffff  }
0x3a: {  	v5 =	vor.u32 $0x10, v4;
	[tilespmem:s22+$0xFFFFFC10] =	vst v9;
	v14 =	vld.idx.msk [tilespmem:v15+s12+$0x0], $0xffff  }
0x3b: {  	v7 =	vor.u32 $0x12, v4;
	v11 =	vld.idx.msk [tilespmem:v11+s12+$0x0], $0xffff  }
0x3c: {  	v9 =	vor.u32 $0x13, v4;
	v1 =	vld.idx.msk [tilespmem:v1+s12+$0x0], $0xffff  }
0x3d: {  	v2 =	vld.idx.msk [tilespmem:v2+s12+$0x0], $0xffff;
	[tilespmem:s22+$0xFFFFE200] =	vst v8;
	v8 =	vor.u32 $0x15, v4  }
0x3e: {  	v6 =	vld.idx.msk [tilespmem:v6+s12+$0x0], $0xffff;
	[tilespmem:s22+$0xFFFFE400] =	vst v12;
	v12 =	vor.u32 $0x16, v4  }
0x3f: {  	v5 =	vld.idx.msk [tilespmem:v5+s12+$0x0], $0xffff;
	[tilespmem:s22+$0xFFFFE600] =	vst v10;
	v10 =	vor.u32 $0x17, v4  }
0x40: {  	v7 =	vld.idx.msk [tilespmem:v7+s12+$0x0], $0xffff;
	[tilespmem:s22+$0xFFFFE800] =	vst v13;
	v13 =	vor.u32 $0x8, v3  }
0x41: {  	v9 =	vld.idx.msk [tilespmem:v9+s12+$0x0], $0xffff;
	[tilespmem:s22+$0xFFFFEA00] =	vst v14;
	v14 =	vor.u32 $0x9, v3  }
0x42: {  	v18 =	vor.u32 $0xF, v3;
	[tilespmem:s22+$0xFFFFEC00] =	vst v1;
	v1 =	vld.idx.msk [tilespmem:v8+s12+$0x0], $0xffff  }
0x43: {  	[tilespmem:s22+$0xFFFFEE00] =	vst v2;
	v8 =	vor.u32 $0xA, v3;
	v2 =	vld.idx.msk [tilespmem:v12+s12+$0x0], $0xffff  }
0x44: {  	[tilespmem:s22+$0xFFFFE000] =	vst v16;
	v12 =	vor.u32 $0xB, v3;
	v10 =	vld.idx.msk [tilespmem:v10+s12+$0x0], $0xffff  }
0x45: {  	v15 =	vor.u32 $0xC, v3;
	[tilespmem:s22+$0x10] =	vst v5;
	v13 =	vld.idx.msk [tilespmem:v13+s12+$0x0], $0xffff  }
0x46: {  	v5 =	vor.u32 $0xD, v3;
	[tilespmem:s22+$0x210] =	vst v6;
	v14 =	vld.idx.msk [tilespmem:v14+s12+$0x0], $0xffff  }
0x47: {  	v6 =	vor.u32 $0xE, v3;
	[tilespmem:s22+$0x410] =	vst v7;
	v18 =	vld.idx.msk [tilespmem:v18+s12+$0x0], $0xffff  }
0x48: {  	[tilespmem:s22+$0x810] =	vst v11;
	v11 =	vor.u32 $0x1F, v4;
	v7 =	vld.idx.msk [tilespmem:v8+s12+$0x0], $0xffff  }
0x49: {  	[tilespmem:s22+$0x610] =	vst v9;
	v8 =	vor.u32 $0x18, v4;
	v9 =	vld.idx.msk [tilespmem:v12+s12+$0x0], $0xffff  }
0x4a: {  	v12 =	vld.idx.msk [tilespmem:v15+s12+$0x0], $0xffff;
	[tilespmem:s22+$0xA10] =	vst v1;
	v1 =	vor.u32 $0x19, v4  }
0x4b: {  	v15 =	vld.idx.msk [tilespmem:v5+s12+$0x0], $0xffff;
	[tilespmem:s22+$0xC10] =	vst v2;
	v2 =	vor.u32 $0x1A, v4  }
0x4c: {  	v6 =	vld.idx.msk [tilespmem:v6+s12+$0x0], $0xffff;
	[tilespmem:s22+$0xE10] =	vst v10;
	v5 =	vor.u32 $0x1B, v4  }
0x4d: {  	s29 =	simm.s32 $0x30;
	v10 =	vor.u32 $0x1C, v4;
	v11 =	vld.idx.msk [tilespmem:v11+s12+$0x0], $0xffff  }
0x4e: {  	v17 =	vmov s29;
	v16 =	vor.u32 $0x1D, v4;
	v8 =	vld.idx.msk [tilespmem:v8+s12+$0x0], $0xffff  }
0x4f: {  	v24 =	vor.u32 $0x1E, v4;
	v19 =	vld.idx.msk [tilespmem:v1+s12+$0x0], $0xffff;
	v1 =	vshll.u32 v17, $0x5  }
0x50: {  	v17 =	vld.idx.msk [tilespmem:v2+s12+$0x0], $0xffff;
	v2 =	vor.u32 v31, v1  }
0x51: {  	v20 =	vld.idx.msk [tilespmem:v5+s12+$0x0], $0xffff;
	v21 =	vor.u32 $0x1, v2  }
0x52: {  	v5 =	vld.idx.msk [tilespmem:v10+s12+$0x0], $0xffff;
	v10 =	vor.u32 $0x2, v2  }
0x53: {  	[tilespmem:s22+$0xFFFFF000] =	vst v13;
	v1 =	vld.idx.msk [tilespmem:v16+s12+$0x0], $0xffff;
	v16 =	vor.u32 $0x3, v2  }
0x54: {  	[tilespmem:s22+$0xFFFFFC00] =	vst v6;
	v6 =	vld.idx.msk [tilespmem:v24+s12+$0x0], $0xffff;
	v22 =	vor.u32 $0x4, v2  }
0x55: {  	s30 =	simm.s32 $0x20;
	[tilespmem:s22+$0xFFFFF200] =	vst v14;
	v23 =	vor.u32 $0x5, v2;
	v13 =	vld.idx.msk [tilespmem:v2+s12+$0x0], $0xffff  }
0x56: {  	v4 =	vmov s30;
	[tilespmem:s22+$0xFFFFFE00] =	vst v18;
	v14 =	vld.idx.msk [tilespmem:v21+s12+$0x0], $0xffff;
	v21 =	vor.u32 $0x6, v2  }
0x57: {  	v4 =	vshll.u32 v4, $0x5;
	[tilespmem:s22+$0xFFFFF400] =	vst v7;
	v7 =	vld.idx.msk [tilespmem:v10+s12+$0x0], $0xffff;
	v10 =	vor.u32 $0x7, v2  }
0x58: {  	v4 =	vor.u32 v31, v4;
	[tilespmem:s22+$0xFFFFF600] =	vst v9;
	v9 =	vld.idx.msk [tilespmem:v16+s12+$0x0], $0xffff  }
0x59: {  	v18 =	vor.u32 $0x2, v4;
	[tilespmem:s22+$0xFFFFF800] =	vst v12;
	v12 =	vld.idx.msk [tilespmem:v22+s12+$0x0], $0xffff  }
0x5a: {  	v27 =	vor.u32 $0x6, v4;
	[tilespmem:s22+$0xFFFFFA00] =	vst v15;
	v15 =	vld.idx.msk [tilespmem:v23+s12+$0x0], $0xffff  }
0x5b: {  	s23 =	simm.s32 $0x10420;
	[tilespmem:s22+$0x1E10] =	vst v11;
	v11 =	vor.u32 $0x5, v4;
	v21 =	vld.idx.msk [tilespmem:v21+s12+$0x0], $0xffff  }
0x5c: {  	v16 =	vor.u32 $0x10, v3;
	v10 =	vld.idx.msk [tilespmem:v10+s12+$0x0], $0xffff;
	[tilespmem:s23+$0xFFFFE010] =	vst v13  }
0x5d: {  	v22 =	vor.u32 $0x11, v3;
	[tilespmem:s23+$0xFFFFE210] =	vst v14  }
0x5e: {  	v18 =	vld.idx.msk [tilespmem:v18+s12+$0x0], $0xffff;
	[tilespmem:s23+$0xFFFFE410] =	vst v7  }
0x5f: {  	v27 =	vld.idx.msk [tilespmem:v27+s12+$0x0], $0xffff;
	[tilespmem:s23+$0xFFFFE610] =	vst v9;
	v9 =	vor.u32 $0x8, v2  }
0x60: {  	v11 =	vld.idx.msk [tilespmem:v11+s12+$0x0], $0xffff;
	[tilespmem:s23+$0xFFFFE810] =	vst v12;
	v12 =	vor.u32 $0x9, v2  }
0x61: {  	v16 =	vld.idx.msk [tilespmem:v16+s12+$0x0], $0xffff;
	[tilespmem:s23+$0xFFFFEA10] =	vst v15;
	v15 =	vor.u32 $0xA, v2  }
0x62: {  	v24 =	vor.u32 $0xD, v2;
	v22 =	vld.idx.msk [tilespmem:v22+s12+$0x0], $0xffff;
	[tilespmem:s23+$0xFFFFEC10] =	vst v21  }
0x63: {  	v25 =	vor.u32 $0xE, v2;
	v7 =	vld.idx.msk [tilespmem:v4+s12+$0x0], $0xffff;
	[tilespmem:s23+$0xFFFFEE10] =	vst v10  }
0x64: {  	v26 =	vor.u32 $0xF, v2;
	v9 =	vld.idx.msk [tilespmem:v9+s12+$0x0], $0xffff  }
0x65: {  	v21 =	vor.u32 $0xB, v2;
	v12 =	vld.idx.msk [tilespmem:v12+s12+$0x0], $0xffff  }
0x66: {  	v10 =	vor.u32 $0xC, v2;
	v15 =	vld.idx.msk [tilespmem:v15+s12+$0x0], $0xffff  }
0x67: {  	[tilespmem:s22+$0x1210] =	vst v19;
	v23 =	vor.u32 $0x1, v4;
	v19 =	vld.idx.msk [tilespmem:v24+s12+$0x0], $0xffff  }
0x68: {  	[tilespmem:s22+$0x1410] =	vst v17;
	v13 =	vor.u32 $0x3, v4;
	v17 =	vld.idx.msk [tilespmem:v25+s12+$0x0], $0xffff  }
0x69: {  	[tilespmem:s22+$0x1610] =	vst v20;
	v14 =	vor.u32 $0x4, v4;
	v20 =	vld.idx.msk [tilespmem:v26+s12+$0x0], $0xffff  }
0x6a: {  	[tilespmem:s22+$0x1010] =	vst v8;
	v24 =	vor.u32 $0x12, v3;
	v21 =	vld.idx.msk [tilespmem:v21+s12+$0x0], $0xffff  }
0x6b: {  	v25 =	vor.u32 $0x13, v3;
	v8 =	vld.idx.msk [tilespmem:v10+s12+$0x0], $0xffff;
	[tilespmem:s23+$0xFFFFF010] =	vst v9  }
0x6c: {  	v23 =	vld.idx.msk [tilespmem:v23+s12+$0x0], $0xffff;
	v26 =	vor.u32 $0x14, v3;
	[tilespmem:s23+$0xFFFFF210] =	vst v12  }
0x6d: {  	v13 =	vld.idx.msk [tilespmem:v13+s12+$0x0], $0xffff;
	v10 =	vor.u32 $0x7, v4;
	[tilespmem:s23+$0xFFFFF410] =	vst v15  }
0x6e: {  	v14 =	vld.idx.msk [tilespmem:v14+s12+$0x0], $0xffff;
	v9 =	vor.u32 $0x15, v3;
	[tilespmem:s23+$0xFFFFFA10] =	vst v19  }
0x6f: {  	v12 =	vor.u32 $0x16, v3;
	v15 =	vld.idx.msk [tilespmem:v24+s12+$0x0], $0xffff;
	[tilespmem:s23+$0xFFFFFC10] =	vst v17  }
0x70: {  	v24 =	vld.idx.msk [tilespmem:v25+s12+$0x0], $0xffff;
	v19 =	vor.u32 $0x12, v2;
	[tilespmem:s23+$0xFFFFFE10] =	vst v20  }
0x71: {  	v25 =	vld.idx.msk [tilespmem:v26+s12+$0x0], $0xffff;
	v17 =	vor.u32 $0x13, v2;
	[tilespmem:s23+$0xFFFFF610] =	vst v21  }
0x72: {  	v20 =	vor.u32 $0x14, v2;
	v10 =	vld.idx.msk [tilespmem:v10+s12+$0x0], $0xffff;
	[tilespmem:s23+$0xFFFFF810] =	vst v8  }
0x73: {  	v26 =	vor.u32 $0x17, v3;
	[tilespmem:s23+$0xFFFFE200] =	vst v23;
	v9 =	vld.idx.msk [tilespmem:v9+s12+$0x0], $0xffff  }
0x74: {  	v21 =	vor.u32 $0x10, v2;
	[tilespmem:s23+$0xFFFFE400] =	vst v18;
	v12 =	vld.idx.msk [tilespmem:v12+s12+$0x0], $0xffff  }
0x75: {  	v8 =	vor.u32 $0x11, v2;
	[tilespmem:s23+$0xFFFFE600] =	vst v13;
	v13 =	vld.idx.msk [tilespmem:v19+s12+$0x0], $0xffff  }
0x76: {  	v23 =	vor.u32 $0x15, v2;
	[tilespmem:s23+$0xFFFFE800] =	vst v14;
	v14 =	vld.idx.msk [tilespmem:v17+s12+$0x0], $0xffff  }
0x77: {  	v18 =	vor.u32 $0x16, v2;
	[tilespmem:s23+$0xFFFFEA00] =	vst v11;
	v11 =	vld.idx.msk [tilespmem:v20+s12+$0x0], $0xffff  }
0x78: {  	[tilespmem:s22+$0x1810] =	vst v5;
	v19 =	vor.u32 $0x17, v2;
	v26 =	vld.idx.msk [tilespmem:v26+s12+$0x0], $0xffff  }
0x79: {  	[tilespmem:s23+$0xFFFFEC00] =	vst v27;
	v21 =	vld.idx.msk [tilespmem:v21+s12+$0x0], $0xffff  }
0x7a: {  	[tilespmem:s23+$0xFFFFE000] =	vst v7;
	v17 =	vor.u32 $0x8, v4;
	v8 =	vld.idx.msk [tilespmem:v8+s12+$0x0], $0xffff  }
0x7b: {  	v20 =	vor.u32 $0x9, v4;
	[tilespmem:s22+$0x200] =	vst v22;
	v23 =	vld.idx.msk [tilespmem:v23+s12+$0x0], $0xffff  }
0x7c: {  	v27 =	vor.u32 $0xA, v4;
	[tilespmem:s23+$0xFFFFEE00] =	vst v10;
	v10 =	vld.idx.msk [tilespmem:v18+s12+$0x0], $0xffff  }
0x7d: {  	v22 =	vor.u32 $0xF, v4;
	v7 =	vld.idx.msk [tilespmem:v19+s12+$0x0], $0xffff;
	[tilespmem:s23+$0x410] =	vst v13  }
0x7e: {  	v18 =	vor.u32 $0xB, v4;
	[tilespmem:s23+$0x610] =	vst v14  }
0x7f: {  	v19 =	vor.u32 $0xC, v4;
	v17 =	vld.idx.msk [tilespmem:v17+s12+$0x0], $0xffff;
	[tilespmem:s23+$0x810] =	vst v11  }
0x80: {  	v20 =	vld.idx.msk [tilespmem:v20+s12+$0x0], $0xffff;
	v14 =	vor.u32 $0x18, v2;
	[tilespmem:s23+$0x10] =	vst v21  }
0x81: {  	v13 =	vld.idx.msk [tilespmem:v27+s12+$0x0], $0xffff;
	v11 =	vor.u32 $0x1F, v2;
	[tilespmem:s23+$0x210] =	vst v8  }
0x82: {  	v5 =	vor.u32 $0x1C, v2;
	v22 =	vld.idx.msk [tilespmem:v22+s12+$0x0], $0xffff;
	[tilespmem:s23+$0xA10] =	vst v23  }
0x83: {  	v8 =	vor.u32 $0xE, v4;
	v18 =	vld.idx.msk [tilespmem:v18+s12+$0x0], $0xffff;
	[tilespmem:s23+$0xC10] =	vst v10  }
0x84: {  	v21 =	vor.u32 $0xD, v4;
	v19 =	vld.idx.msk [tilespmem:v19+s12+$0x0], $0xffff;
	[tilespmem:s23+$0xE10] =	vst v7  }
0x85: {  	v10 =	vor.u32 $0x1A, v2;
	v14 =	vld.idx.msk [tilespmem:v14+s12+$0x0], $0xffff  }
0x86: {  	v23 =	vor.u32 $0x19, v2;
	v11 =	vld.idx.msk [tilespmem:v11+s12+$0x0], $0xffff  }
0x87: {  	[tilespmem:s22+$0x600] =	vst v24;
	v7 =	vor.u32 $0x1B, v2;
	v24 =	vld.idx.msk [tilespmem:v5+s12+$0x0], $0xffff  }
0x88: {  	[tilespmem:s22+$0x1A10] =	vst v1;
	v27 =	vld.idx.msk [tilespmem:v8+s12+$0x0], $0xffff;
	v8 =	vor.u32 $0x1D, v2  }
0x89: {  	[tilespmem:s22+$0x0] =	vst v16;
	v21 =	vld.idx.msk [tilespmem:v21+s12+$0x0], $0xffff;
	v2 =	vor.u32 $0x1E, v2  }
0x8a: {  	[tilespmem:s22+$0x400] =	vst v15;
	v15 =	vld.idx.msk [tilespmem:v10+s12+$0x0], $0xffff;
	v10 =	vor.u32 $0x18, v3  }
0x8b: {  	v29 =	vor.u32 $0x1E, v3;
	[tilespmem:s22+$0x800] =	vst v25;
	v16 =	vld.idx.msk [tilespmem:v23+s12+$0x0], $0xffff  }
0x8c: {  	[tilespmem:s22+$0xA00] =	vst v9;
	v9 =	vor.u32 $0x1B, v3;
	v23 =	vld.idx.msk [tilespmem:v7+s12+$0x0], $0xffff  }
0x8d: {  	s24 =	simm.s32 $0x50;
	[tilespmem:s22+$0xC00] =	vst v12;
	v7 =	vor.u32 $0x19, v3;
	v0 =	vld.idx.msk [tilespmem:v8+s12+$0x0], $0xffff  }
0x8e: {  	v1 =	vmov s24;
	v25 =	vor.u32 $0x1A, v3;
	[tilespmem:s22+$0xE00] =	vst v26;
	v12 =	vld.idx.msk [tilespmem:v2+s12+$0x0], $0xffff  }
0x8f: {  	[tilespmem:s22+$0x1C10] =	vst v6;
	v1 =	vshll.u32 v1, $0x5;
	v2 =	vor.u32 $0x1C, v3;
	v5 =	vld.idx.msk [tilespmem:v10+s12+$0x0], $0xffff  }
0x90: {  	v26 =	vor.u32 $0x1D, v3;
	[tilespmem:s23+$0xFFFFF000] =	vst v17;
	v8 =	vor.u32 v31, v1;
	v1 =	vld.idx.msk [tilespmem:v29+s12+$0x0], $0xffff  }
0x91: {  	[tilespmem:s23+$0x1E10] =	vst v11;
	v11 =	vld.idx.msk [tilespmem:v9+s12+$0x0], $0xffff  }
0x92: {  	[tilespmem:s23+$0xFFFFF200] =	vst v20;
	v6 =	vld.idx.msk [tilespmem:v7+s12+$0x0], $0xffff  }
0x93: {  	[tilespmem:s23+$0xFFFFF400] =	vst v13;
	v7 =	vld.idx.msk [tilespmem:v25+s12+$0x0], $0xffff  }
0x94: {  	[tilespmem:s23+$0xFFFFF600] =	vst v18;
	v9 =	vor.u32 $0x1, v8;
	v10 =	vld.idx.msk [tilespmem:v2+s12+$0x0], $0xffff  }
0x95: {  	v17 =	vor.u32 $0x2, v8;
	v2 =	vld.idx.msk [tilespmem:v26+s12+$0x0], $0xffff;
	[tilespmem:$0x1FFE0] =	vst v1  }
0x96: {  	v13 =	vor.u32 $0x3, v8;
	[tilespmem:s23+$0xFFFFF800] =	vst v19  }
0x97: {  	v18 =	vor.u32 $0x4, v8;
	[tilespmem:s23+$0xFFFFFA00] =	vst v21  }
0x98: {  	s31 =	simm.s32 $0x40;
	v20 =	vor.u32 $0x5, v8;
	v19 =	vld.idx.msk [tilespmem:v8+s12+$0x0], $0xffff;
	[tilespmem:s23+$0xFFFFFC00] =	vst v27  }
0x99: {  	v25 =	vmov s31;
	v26 =	vor.u32 $0x6, v8;
	v21 =	vld.idx.msk [tilespmem:v9+s12+$0x0], $0xffff;
	[tilespmem:s23+$0xFFFFFE00] =	vst v22  }
0x9a: {  	v9 =	vshll.u32 v25, $0x5;
	v17 =	vld.idx.msk [tilespmem:v17+s12+$0x0], $0xffff;
	v25 =	vor.u32 $0x7, v8;
	[tilespmem:s23+$0x1010] =	vst v14  }
0x9b: {  	v13 =	vld.idx.msk [tilespmem:v13+s12+$0x0], $0xffff;
	[tilespmem:s23+$0x1A10] =	vst v0;
	v0 =	vor.u32 $0x10, v4  }
0x9c: {  	v14 =	vld.idx.msk [tilespmem:v18+s12+$0x0], $0xffff;
	[tilespmem:s23+$0x1210] =	vst v16;
	v9 =	vor.u32 v31, v9  }
0x9d: {  	v16 =	vld.idx.msk [tilespmem:v20+s12+$0x0], $0xffff;
	[tilespmem:s23+$0x1410] =	vst v15;
	v22 =	vor.u32 $0x1, v9  }
0x9e: {  	[tilespmem:s23+$0x1610] =	vst v23;
	v18 =	vor.u32 $0x2, v9;
	v15 =	vld.idx.msk [tilespmem:v26+s12+$0x0], $0xffff  }
0x9f: {  	[tilespmem:s23+$0x1810] =	vst v24;
	v20 =	vor.u32 $0x3, v9;
	v23 =	vld.idx.msk [tilespmem:v25+s12+$0x0], $0xffff  }
0xa0: {  	s24 =	simm.s32 $0x10440;
	[tilespmem:s23+$0x1C10] =	vst v12;
	v26 =	vor.u32 $0x4, v9;
	v0 =	vld.idx.msk [tilespmem:v0+s12+$0x0], $0xffff  }
0xa1: {  	v25 =	vor.u32 $0x5, v9;
	[tilespmem:s24+$0xFFFFE010] =	vst v19;
	v27 =	vld.idx.msk [tilespmem:v9+s12+$0x0], $0xffff  }
0xa2: {  	v19 =	vor.u32 $0x6, v9;
	[tilespmem:s24+$0xFFFFE210] =	vst v21;
	v22 =	vld.idx.msk [tilespmem:v22+s12+$0x0], $0xffff  }
0xa3: {  	v21 =	vor.u32 $0x7, v9;
	[tilespmem:s24+$0xFFFFE410] =	vst v17;
	v18 =	vld.idx.msk [tilespmem:v18+s12+$0x0], $0xffff  }
0xa4: {  	[tilespmem:s24+$0xFFFFE610] =	vst v13;
	v13 =	vor.u32 $0x8, v8;
	v17 =	vld.idx.msk [tilespmem:v20+s12+$0x0], $0xffff  }
0xa5: {  	[tilespmem:s24+$0xFFFFE810] =	vst v14;
	v14 =	vor.u32 $0x9, v8;
	v20 =	vld.idx.msk [tilespmem:v26+s12+$0x0], $0xffff  }
0xa6: {  	[tilespmem:s24+$0xFFFFEA10] =	vst v16;
	v16 =	vor.u32 $0xA, v8;
	v25 =	vld.idx.msk [tilespmem:v25+s12+$0x0], $0xffff  }
0xa7: {  	v24 =	vor.u32 $0xD, v8;
	[tilespmem:s24+$0xFFFFEC10] =	vst v15;
	v19 =	vld.idx.msk [tilespmem:v19+s12+$0x0], $0xffff  }
0xa8: {  	v15 =	vor.u32 $0xB, v8;
	v21 =	vld.idx.msk [tilespmem:v21+s12+$0x0], $0xffff;
	[tilespmem:s24+$0xFFFFEE10] =	vst v23  }
0xa9: {  	v26 =	vor.u32 $0xE, v8;
	v13 =	vld.idx.msk [tilespmem:v13+s12+$0x0], $0xffff;
	[tilespmem:s24+$0xFFFFE200] =	vst v22  }
0xaa: {  	v23 =	vor.u32 $0xC, v8;
	v14 =	vld.idx.msk [tilespmem:v14+s12+$0x0], $0xffff;
	[tilespmem:s24+$0xFFFFE400] =	vst v18  }
0xab: {  	v12 =	vld.idx.msk [tilespmem:v16+s12+$0x0], $0xffff;
	v16 =	vor.u32 $0xF, v8;
	[tilespmem:s24+$0xFFFFE600] =	vst v17  }
0xac: {  	v22 =	vor.u32 $0x11, v4;
	v17 =	vld.idx.msk [tilespmem:v24+s12+$0x0], $0xffff;
	[tilespmem:s24+$0xFFFFE800] =	vst v20  }
0xad: {  	v24 =	vor.u32 $0x13, v4;
	v15 =	vld.idx.msk [tilespmem:v15+s12+$0x0], $0xffff;
	[tilespmem:s24+$0xFFFFEA00] =	vst v25  }
0xae: {  	v20 =	vld.idx.msk [tilespmem:v26+s12+$0x0], $0xffff;
	v26 =	vor.u32 $0x14, v4;
	[tilespmem:s24+$0xFFFFEC00] =	vst v19  }
0xaf: {  	v18 =	vld.idx.msk [tilespmem:v23+s12+$0x0], $0xffff;
	v23 =	vor.u32 $0x12, v4;
	[tilespmem:s24+$0xFFFFEE00] =	vst v21  }
0xb0: {  	v25 =	vor.u32 $0x15, v4;
	v16 =	vld.idx.msk [tilespmem:v16+s12+$0x0], $0xffff;
	[tilespmem:s24+$0xFFFFF010] =	vst v13  }
0xb1: {  	v13 =	vor.u32 $0x16, v4;
	[tilespmem:s24+$0xFFFFF210] =	vst v14;
	v22 =	vld.idx.msk [tilespmem:v22+s12+$0x0], $0xffff  }
0xb2: {  	v14 =	vor.u32 $0x17, v4;
	[tilespmem:s24+$0xFFFFF410] =	vst v12;
	v12 =	vld.idx.msk [tilespmem:v24+s12+$0x0], $0xffff  }
0xb3: {  	[tilespmem:s24+$0xFFFFFA10] =	vst v17;
	v17 =	vor.u32 $0x12, v8;
	v24 =	vld.idx.msk [tilespmem:v26+s12+$0x0], $0xffff  }
0xb4: {  	v19 =	vor.u32 $0x15, v8;
	[tilespmem:s24+$0xFFFFF610] =	vst v15;
	v23 =	vld.idx.msk [tilespmem:v23+s12+$0x0], $0xffff  }
0xb5: {  	v21 =	vor.u32 $0x16, v8;
	[tilespmem:s24+$0xFFFFFC10] =	vst v20;
	v25 =	vld.idx.msk [tilespmem:v25+s12+$0x0], $0xffff  }
0xb6: {  	v3 =	vor.u32 $0x1F, v3;
	[tilespmem:s24+$0xFFFFF810] =	vst v18;
	v13 =	vld.idx.msk [tilespmem:v13+s12+$0x0], $0xffff  }
0xb7: {  	v15 =	vor.u32 $0x10, v8;
	v14 =	vld.idx.msk [tilespmem:v14+s12+$0x0], $0xffff;
	[tilespmem:s24+$0xFFFFFE10] =	vst v16  }
0xb8: {  	[tilespmem:s24+$0xFFFFE000] =	vst v27;
	v20 =	vor.u32 $0x13, v8;
	v17 =	vld.idx.msk [tilespmem:v17+s12+$0x0], $0xffff  }
0xb9: {  	v26 =	vor.u32 $0x17, v8;
	[tilespmem:s23+$0x0] =	vst v0;
	v19 =	vld.idx.msk [tilespmem:v19+s12+$0x0], $0xffff  }
0xba: {  	v18 =	vor.u32 $0x11, v8;
	[tilespmem:s23+$0x600] =	vst v12;
	v12 =	vld.idx.msk [tilespmem:v21+s12+$0x0], $0xffff  }
0xbb: {  	v16 =	vor.u32 $0x14, v8;
	[tilespmem:s23+$0x200] =	vst v22;
	v22 =	vld.idx.msk [tilespmem:v3+s12+$0x0], $0xffff  }
0xbc: {  	[tilespmem:s22+$0x1000] =	vst v5;
	v15 =	vld.idx.msk [tilespmem:v15+s12+$0x0], $0xffff  }
0xbd: {  	v27 =	vor.u32 $0x8, v9;
	v20 =	vld.idx.msk [tilespmem:v20+s12+$0x0], $0xffff;
	[tilespmem:s23+$0x800] =	vst v24  }
0xbe: {  	v21 =	vor.u32 $0xB, v9;
	v24 =	vld.idx.msk [tilespmem:v26+s12+$0x0], $0xffff;
	[tilespmem:s23+$0x400] =	vst v23  }
0xbf: {  	v3 =	vor.u32 $0xD, v9;
	v18 =	vld.idx.msk [tilespmem:v18+s12+$0x0], $0xffff;
	[tilespmem:s23+$0xC00] =	vst v13  }
0xc0: {  	v26 =	vor.u32 $0xC, v9;
	v16 =	vld.idx.msk [tilespmem:v16+s12+$0x0], $0xffff;
	[tilespmem:s24+$0x410] =	vst v17  }
0xc1: {  	v0 =	vor.u32 $0x9, v9;
	[tilespmem:s24+$0xA10] =	vst v19  }
0xc2: {  	v27 =	vld.idx.msk [tilespmem:v27+s12+$0x0], $0xffff;
	v23 =	vor.u32 $0xA, v9;
	[tilespmem:s24+$0xC10] =	vst v12  }
0xc3: {  	v17 =	vor.u32 $0x18, v8;
	v39 =	vld.idx.msk [tilespmem:v21+s12+$0x0], $0xffff;
	[tilespmem:s24+$0x10] =	vst v15  }
0xc4: {  	v19 =	vor.u32 $0x19, v8;
	v41 =	vld.idx.msk [tilespmem:v3+s12+$0x0], $0xffff;
	[tilespmem:s24+$0x610] =	vst v20  }
0xc5: {  	v3 =	vor.u32 $0x1A, v8;
	v40 =	vld.idx.msk [tilespmem:v26+s12+$0x0], $0xffff;
	[tilespmem:s24+$0xE10] =	vst v24  }
0xc6: {  	v12 =	vor.u32 $0x1B, v8;
	[tilespmem:s24+$0x210] =	vst v18;
	v18 =	vld.idx.msk [tilespmem:v0+s12+$0x0], $0xffff  }
0xc7: {  	v13 =	vor.u32 $0x1D, v8;
	v23 =	vld.idx.msk [tilespmem:v23+s12+$0x0], $0xffff;
	[tilespmem:s24+$0x810] =	vst v16  }
0xc8: {  	[tilespmem:s22+$0x1200] =	vst v6;
	v15 =	vor.u32 $0xE, v9;
	v35 =	vld.idx.msk [tilespmem:v17+s12+$0x0], $0xffff  }
0xc9: {  	[tilespmem:s22+$0x1400] =	vst v7;
	v16 =	vor.u32 $0x1F, v8;
	v36 =	vld.idx.msk [tilespmem:v19+s12+$0x0], $0xffff  }
0xca: {  	[tilespmem:s23+$0xE00] =	vst v14;
	v14 =	vor.u32 $0x1E, v8;
	v37 =	vld.idx.msk [tilespmem:v3+s12+$0x0], $0xffff  }
0xcb: {  	v5 =	vor.u32 $0x1A, v4;
	[tilespmem:s22+$0x1600] =	vst v11;
	v19 =	vor.u32 $0xF, v9;
	v45 =	vld.idx.msk [tilespmem:v12+s12+$0x0], $0xffff  }
0xcc: {  	v6 =	vor.u32 $0x1C, v4;
	v7 =	vor.u32 $0x1E, v4;
	[tilespmem:s23+$0xA00] =	vst v25;
	v25 =	vor.u32 $0x18, v4;
	v47 =	vld.idx.msk [tilespmem:v13+s12+$0x0], $0xffff  }
0xcd: {  	[tilespmem:s22+$0x1800] =	vst v10;
	v11 =	vor.u32 $0x18, v9;
	v10 =	vor.u32 $0x19, v9;
	v0 =	vor.u32 $0x19, v4;
	v38 =	vld.idx.msk [tilespmem:v15+s12+$0x0], $0xffff  }
0xce: {  	v21 =	vor.u32 $0x11, v9;
	v20 =	vor.u32 $0x10, v9;
	v15 =	vor.u32 $0x1C, v8;
	v24 =	vld.idx.msk [tilespmem:v16+s12+$0x0], $0xffff  }
0xcf: {  	v26 =	vor.u32 $0x1B, v9;
	v3 =	vor.u32 $0x1D, v4;
	v13 =	vor.u32 $0x13, v9;
	v48 =	vld.idx.msk [tilespmem:v14+s12+$0x0], $0xffff  }
0xd0: {  	v17 =	vor.u32 $0x14, v9;
	v14 =	vor.u32 $0x15, v9;
	v12 =	vor.u32 $0x16, v9;
	v32 =	vld.idx.msk [tilespmem:v19+s12+$0x0], $0xffff;
	[tilespmem:s24+$0xFFFFF000] =	vst v27  }
0xd1: {  	v8 =	vor.u32 $0x1B, v4;
	v4 =	vor.u32 $0x1F, v4;
	v16 =	vor.u32 $0x12, v9;
	[tilespmem:s24+$0xFFFFF200] =	vst v18;
	v18 =	vld.idx.msk [tilespmem:v25+s12+$0x0], $0xffff  }
0xd2: {  	v27 =	vor.u32 $0x1A, v9;
	v25 =	vor.u32 $0x1D, v9;
	[tilespmem:s24+$0xFFFFF400] =	vst v23;
	v23 =	vor.u32 $0x1E, v9;
	v19 =	vld.idx.msk [tilespmem:v0+s12+$0x0], $0xffff  }
0xd3: {  	s25 =	sshll.u32 s21, $0xC;
	s26 =	simm.s32 $0x4;
	s28 =	simm.s32 $0x60;
	v46 =	vld.idx.msk [tilespmem:v15+s12+$0x0], $0xffff;
	v15 =	vor.u32 $0x17, v9;
	[tilespmem:s24+$0x1E10] =	vst v24;
	v24 =	vor.u32 $0x1C, v9;
	v9 =	vor.u32 $0x1F, v9  }
.LBB2_3:
0xd4: {  	[tilespmem:s24+$0xFFFFF600] =	vst v39  }
0xd5: {  	v0 =	vld.idx.msk [tilespmem:v5+s12+$0x0], $0xffff;
	_ =	sdelay $0x4  }
0xd6: {  	[tilespmem:$0x1FFD0] =	vst v0;
	v0 =	vld [tilespmem:$0x1FFF0];
	_ =	sdelay $0x1  }
0xd7: {  	v29 =	vmov s28;
	s29 =	sadd.s32 $0x10, s28;
	[tilespmem:s24+$0xFFFFF800] =	vst v40  }
0xd8: {  	v5 =	vmov v27;
	v27 =	vshll.u32 v29, $0x5;
	v30 =	vmov s29;
	v29 =	vld.idx.msk [tilespmem:v8+s12+$0x0], $0xffff;
	[tilespmem:s24+$0xFFFFFA00] =	vst v41  }
0xd9: {  	v8 =	vmov v26;
	v26 =	vshll.u32 v30, $0x5;
	v30 =	vld.idx.msk [tilespmem:v6+s12+$0x0], $0xffff;
	[tilespmem:s24+$0xFFFFFC00] =	vst v38;
	v49 =	vor.u32 v31, v27  }
0xda: {  	v6 =	vmov v24;
	v24 =	vld.idx.msk [tilespmem:v3+s12+$0x0], $0xffff;
	[tilespmem:s24+$0xFFFFFE00] =	vst v32;
	v31 =	vor.u32 v0, v26  }
0xdb: {  	v3 =	vmov v25;
	v42 =	vld.idx.msk [tilespmem:v20+s12+$0x0], $0xffff;
	v25 =	vor.u32 $0x1, v31  }
0xdc: {  	[tilespmem:s24+$0x1210] =	vst v36;
	v26 =	vld.idx.msk [tilespmem:v7+s12+$0x0], $0xffff;
	v7 =	vmov v23;
	v23 =	vor.u32 $0x2, v31  }
0xdd: {  	[tilespmem:s24+$0x1010] =	vst v35;
	v43 =	vld.idx.msk [tilespmem:v21+s12+$0x0], $0xffff  }
0xde: {  	[tilespmem:s24+$0x1410] =	vst v37;
	v44 =	vld.idx.msk [tilespmem:v49+s12+$0x0], $0xffff;
	v27 =	vor.u32 $0x3, v31  }
0xdf: {  	v33 =	vor.u32 $0x4, v31;
	v57 =	vld.idx.msk [tilespmem:v31+s12+$0x0], $0xffff;
	[tilespmem:s24+$0x1610] =	vst v45  }
0xe0: {  	v58 =	vor.u32 $0x5, v31;
	v45 =	vld.idx.msk [tilespmem:v25+s12+$0x0], $0xffff;
	[tilespmem:s24+$0x1810] =	vst v46  }
0xe1: {  	v59 =	vor.u32 $0x7, v31;
	v46 =	vld.idx.msk [tilespmem:v23+s12+$0x0], $0xffff  }
0xe2: {  	v25 =	vor.u32 $0x6, v31;
	[tilespmem:s24+$0x1A10] =	vst v47;
	v23 =	vld [tilespmem:$0x1FFE0]  }
0xe3: {  	v50 =	vor.u32 $0x1, v49;
	v61 =	vld.idx.msk [tilespmem:v27+s12+$0x0], $0xffff;
	[tilespmem:s24+$0x1C10] =	vst v48  }
0xe4: {  	v51 =	vor.u32 $0x2, v49;
	v0 =	vld.idx.msk [tilespmem:v33+s12+$0x0], $0xffff  }
0xe5: {  	v52 =	vor.u32 $0x3, v49;
	[tilespmem:s22+$0x1A00] =	vst v2;
	v58 =	vld.idx.msk [tilespmem:v58+s12+$0x0], $0xffff  }
0xe6: {  	v53 =	vor.u32 $0x4, v49;
	[tilespmem:s22+$0x1E00] =	vst v22;
	v22 =	vld.idx.msk [tilespmem:v59+s12+$0x0], $0xffff  }
0xe7: {  	v54 =	vor.u32 $0x5, v49;
	v28 =	vld.idx.msk [tilespmem:v25+s12+$0x0], $0xffff;
	[tilespmem:s22+$0x1C00] =	vst v23;
	s22 =	smov.u32 s23;
	s23 =	smov.u32 s24;
	s24 =	sadd.s32 $0x20, s24  }
0xe8: {  	[tilespmem:s24+$0xFFFFE010] =	vst v57;
	v50 =	vld.idx.msk [tilespmem:v50+s12+$0x0], $0xffff  }
0xe9: {  	v55 =	vor.u32 $0x6, v49;
	[tilespmem:s24+$0xFFFFE210] =	vst v45;
	v45 =	vld.idx.msk [tilespmem:v51+s12+$0x0], $0xffff  }
0xea: {  	v56 =	vor.u32 $0x7, v49;
	[tilespmem:s24+$0xFFFFE410] =	vst v46;
	v46 =	vld.idx.msk [tilespmem:v52+s12+$0x0], $0xffff  }
0xeb: {  	[tilespmem:s24+$0xFFFFE610] =	vst v61;
	v61 =	vor.u32 $0x8, v31;
	v52 =	vld.idx.msk [tilespmem:v53+s12+$0x0], $0xffff  }
0xec: {  	v53 =	vld.idx.msk [tilespmem:v54+s12+$0x0], $0xffff;
	v54 =	vor.u32 $0xA, v31;
	[tilespmem:s24+$0xFFFFE810] =	vst v0  }
0xed: {  	v57 =	vor.u32 $0xE, v31;
	[tilespmem:s24+$0xFFFFEA10] =	vst v58  }
0xee: {  	v59 =	vor.u32 $0xF, v31;
	v55 =	vld.idx.msk [tilespmem:v55+s12+$0x0], $0xffff;
	[tilespmem:s24+$0xFFFFEE10] =	vst v22  }
0xef: {  	v56 =	vld.idx.msk [tilespmem:v56+s12+$0x0], $0xffff;
	v0 =	vor.u32 $0x9, v31;
	[tilespmem:s24+$0xFFFFEC10] =	vst v28  }
0xf0: {  	v22 =	vor.u32 $0xC, v31;
	[tilespmem:s24+$0xFFFFE200] =	vst v50;
	v50 =	vld.idx.msk [tilespmem:v61+s12+$0x0], $0xffff  }
0xf1: {  	v28 =	vor.u32 $0xB, v31;
	[tilespmem:s24+$0xFFFFE400] =	vst v45;
	v58 =	vld.idx.msk [tilespmem:v54+s12+$0x0], $0xffff  }
0xf2: {  	v61 =	vor.u32 $0xD, v31;
	[tilespmem:s24+$0xFFFFE600] =	vst v46;
	v45 =	vld.idx.msk [tilespmem:v57+s12+$0x0], $0xffff  }
0xf3: {  	[tilespmem:s24+$0xFFFFE800] =	vst v52;
	v52 =	vld.idx.msk [tilespmem:v59+s12+$0x0], $0xffff  }
0xf4: {  	[tilespmem:s24+$0xFFFFEA00] =	vst v53;
	v0 =	vld.idx.msk [tilespmem:v0+s12+$0x0], $0xffff  }
0xf5: {  	[tilespmem:s24+$0xFFFFEC00] =	vst v55;
	v22 =	vld.idx.msk [tilespmem:v22+s12+$0x0], $0xffff  }
0xf6: {  	[tilespmem:s24+$0xFFFFEE00] =	vst v56;
	v28 =	vld.idx.msk [tilespmem:v28+s12+$0x0], $0xffff  }
0xf7: {  	v51 =	vld.idx.msk [tilespmem:v61+s12+$0x0], $0xffff;
	[tilespmem:s24+$0xFFFFF010] =	vst v50  }
0xf8: {  	v46 =	vld.idx.msk [tilespmem:v13+s12+$0x0], $0xffff;
	[tilespmem:s24+$0xFFFFF410] =	vst v58  }
0xf9: {  	v57 =	vld.idx.msk [tilespmem:v14+s12+$0x0], $0xffff;
	[tilespmem:s24+$0xFFFFFC10] =	vst v45  }
0xfa: {  	v53 =	vld.idx.msk [tilespmem:v12+s12+$0x0], $0xffff;
	v61 =	vor.u32 $0x11, v31;
	[tilespmem:s24+$0xFFFFFE10] =	vst v52  }
0xfb: {  	v54 =	vld.idx.msk [tilespmem:v15+s12+$0x0], $0xffff;
	v58 =	vor.u32 $0x12, v31;
	[tilespmem:s24+$0xFFFFF210] =	vst v0  }
0xfc: {  	v1 =	vor.u32 $0x17, v49;
	v47 =	vor.u32 $0x12, v49;
	v59 =	vor.u32 $0x13, v31;
	v0 =	vld.idx.msk [tilespmem:v16+s12+$0x0], $0xffff;
	[tilespmem:s24+$0xFFFFF810] =	vst v22  }
0xfd: {  	v60 =	vor.u32 $0x13, v49;
	v15 =	vmovc v1;
	v1 =	vor.u32 $0x14, v31;
	v16 =	vmov v47;
	v47 =	vld.idx.msk [tilespmem:v17+s12+$0x0], $0xffff;
	[tilespmem:s24+$0xFFFFF610] =	vst v28  }
0xfe: {  	v63 =	vor.u32 $0x16, v49;
	v48 =	vor.u32 $0x14, v49;
	v13 =	vmovc v60;
	v60 =	vor.u32 $0x15, v31;
	v22 =	vld.idx.msk [tilespmem:v4+s12+$0x0], $0xffff;
	[tilespmem:s24+$0xFFFFFA10] =	vst v51  }
0xff: {  	v62 =	vor.u32 $0x15, v49;
	v12 =	vmovc v63;
	v63 =	vor.u32 $0x17, v31;
	v17 =	vmov v48;
	[tilespmem:s24+$0xFFFFE000] =	vst v44;
	v48 =	vld.idx.msk [tilespmem:v61+s12+$0x0], $0xffff  }
0x100: {  	v14 =	vmov v62;
	[tilespmem:s23+$0x0] =	vst v42;
	v28 =	vor.u32 $0x10, v31;
	v62 =	vld.idx.msk [tilespmem:v58+s12+$0x0], $0xffff  }
0x101: {  	[tilespmem:s23+$0x200] =	vst v43;
	v61 =	vor.u32 $0x16, v31;
	v52 =	vld.idx.msk [tilespmem:v59+s12+$0x0], $0xffff  }
0x102: {  	v41 =	vor.u32 $0x9, v49;
	[tilespmem:s23+$0x400] =	vst v0;
	v0 =	vld.idx.msk [tilespmem:v1+s12+$0x0], $0xffff  }
0x103: {  	v39 =	vor.u32 $0xA, v49;
	[tilespmem:s23+$0x600] =	vst v46;
	v1 =	vld.idx.msk [tilespmem:v60+s12+$0x0], $0xffff  }
0x104: {  	v40 =	vor.u32 $0xB, v49;
	[tilespmem:s23+$0xA00] =	vst v57;
	v56 =	vld.idx.msk [tilespmem:v63+s12+$0x0], $0xffff  }
0x105: {  	v36 =	vor.u32 $0xC, v49;
	[tilespmem:s23+$0x800] =	vst v47;
	v28 =	vld.idx.msk [tilespmem:v28+s12+$0x0], $0xffff  }
0x106: {  	v37 =	vor.u32 $0xD, v49;
	v55 =	vld.idx.msk [tilespmem:v61+s12+$0x0], $0xffff;
	[tilespmem:s24+$0x210] =	vst v48  }
0x107: {  	v38 =	vor.u32 $0x8, v49;
	v57 =	vld.idx.msk [tilespmem:v41+s12+$0x0], $0xffff;
	[tilespmem:s24+$0x410] =	vst v62  }
0x108: {  	v35 =	vor.u32 $0xE, v49;
	v58 =	vld.idx.msk [tilespmem:v39+s12+$0x0], $0xffff;
	[tilespmem:s24+$0x610] =	vst v52  }
0x109: {  	v39 =	vld.idx.msk [tilespmem:v40+s12+$0x0], $0xffff;
	[tilespmem:s24+$0x810] =	vst v0  }
0x10a: {  	v59 =	vor.u32 $0x18, v31;
	v40 =	vld.idx.msk [tilespmem:v36+s12+$0x0], $0xffff;
	[tilespmem:s24+$0xA10] =	vst v1  }
0x10b: {  	v41 =	vld.idx.msk [tilespmem:v37+s12+$0x0], $0xffff;
	v0 =	vor.u32 $0x1F, v31;
	[tilespmem:s24+$0xE10] =	vst v56  }
0x10c: {  	v1 =	vor.u32 $0x19, v31;
	[tilespmem:s24+$0x10] =	vst v28;
	v28 =	vld.idx.msk [tilespmem:v38+s12+$0x0], $0xffff  }
0x10d: {  	v38 =	vld.idx.msk [tilespmem:v35+s12+$0x0], $0xffff;
	[tilespmem:s22+$0x1000] =	vst v18  }
0x10e: {  	v60 =	vor.u32 $0x1A, v31;
	v18 =	vld [tilespmem:$0x1FFD0];
	[tilespmem:s24+$0xC10] =	vst v55  }
0x10f: {  	v61 =	vor.u32 $0x1B, v31;
	v35 =	vld.idx.msk [tilespmem:v59+s12+$0x0], $0xffff  }
0x110: {  	v62 =	vor.u32 $0x1C, v31;
	[tilespmem:s23+$0xC00] =	vst v53;
	v0 =	vld.idx.msk [tilespmem:v0+s12+$0x0], $0xffff  }
0x111: {  	v32 =	vor.u32 $0xF, v49;
	[tilespmem:s23+$0xE00] =	vst v54;
	v36 =	vld.idx.msk [tilespmem:v1+s12+$0x0], $0xffff  }
0x112: {  	v63 =	vor.u32 $0x1D, v31;
	[tilespmem:s22+$0x1200] =	vst v19;
	v1 =	vor.u32 $0x1E, v31;
	v31 =	vld [tilespmem:$0x1FFF0]  }
0x113: {  	[tilespmem:s22+$0x1600] =	vst v29;
	v37 =	vld.idx.msk [tilespmem:v60+s12+$0x0], $0xffff  }
0x114: {  	s26 =	sadd.s32 $0x2, s26;
	[tilespmem:s22+$0x1800] =	vst v30;
	v45 =	vld.idx.msk [tilespmem:v61+s12+$0x0], $0xffff  }
0x115: {  	p1 =	slt.u32 s26, $0x1E;
	v46 =	vld.idx.msk [tilespmem:v62+s12+$0x0], $0xffff;
	[tilespmem:s22+$0x1400] =	vst v18  }
.Ltmp0:
0x116: {  	v20 =	vor.u32 $0x10, v49;
	v32 =	vld.idx.msk [tilespmem:v32+s12+$0x0], $0xffff;
	[tilespmem:s24+$0xFFFFF000] =	vst v28;
	(pc) =	sbr.rel @p1 .LBB2_3-.Ltmp0, $4  }
0x117: {  	v21 =	vor.u32 $0x11, v49;
	v34 =	vor.u32 $0x18, v49;
	v2 =	vmovc v24;
	v24 =	vor.u32 $0x1C, v49;
	v47 =	vld.idx.msk [tilespmem:v63+s12+$0x0], $0xffff;
	[tilespmem:s24+$0xFFFFF200] =	vst v57  }
0x118: {  	v27 =	vor.u32 $0x1A, v49;
	v33 =	vor.u32 $0x19, v49;
	v25 =	vor.u32 $0x1D, v49;
	v23 =	vmovc v26;
	v18 =	vld.idx.msk [tilespmem:v11+s12+$0x0], $0xffff;
	[tilespmem:s24+$0xFFFFF400] =	vst v58  }
0x119: {  	v26 =	vor.u32 $0x1B, v49;
	[tilespmem:$0x1FFE0] =	vst v23;
	v23 =	vor.u32 $0x1E, v49;
	v49 =	vor.u32 $0x1F, v49;
	v19 =	vld.idx.msk [tilespmem:v10+s12+$0x0], $0xffff  }
0x11a: {  	s28 =	sadd.s32 $0x20, s28;
	v4 =	vmovc v9;
	v9 =	vmov v49;
	v11 =	vmov v34;
	v10 =	vmov v33;
	v48 =	vld.idx.msk [tilespmem:v1+s12+$0x0], $0xffff;
	[tilespmem:s24+$0x1E10] =	vst v0  }
0x11b: {  	[tilespmem:s24+$0xFFFFF600] =	vst v39  }
0x11c: {  	[tilespmem:s24+$0xFFFFF800] =	vst v40  }
0x11d: {  	[tilespmem:s24+$0xFFFFFA00] =	vst v41  }
0x11e: {  	[tilespmem:s24+$0xFFFFFC00] =	vst v38  }
0x11f: {  	[tilespmem:s24+$0xFFFFFE00] =	vst v32  }
0x120: {  	[tilespmem:s24+$0x1010] =	vst v35  }
0x121: {  	[tilespmem:s24+$0x1210] =	vst v36  }
0x122: {  	[tilespmem:s24+$0x1410] =	vst v37  }
0x123: {  	[tilespmem:s24+$0x1610] =	vst v45  }
0x124: {  	[tilespmem:s24+$0x1810] =	vst v46  }
0x125: {  	[tilespmem:s22+$0x1A00] =	vst v2  }
0x126: {  	v0 =	vld.idx.msk [tilespmem:v20+s12+$0x0], $0xffff;
	[tilespmem:s24+$0x1A10] =	vst v47  }
0x127: {  	v1 =	vld.idx.msk [tilespmem:v21+s12+$0x0], $0xffff;
	[tilespmem:s24+$0x1C10] =	vst v48  }
0x128: {  	v2 =	vld [tilespmem:$0x1FFE0]  }
0x129: {  	v16 =	vld.idx.msk [tilespmem:v16+s12+$0x0], $0xffff  }
0x12a: {  	v13 =	vld.idx.msk [tilespmem:v13+s12+$0x0], $0xffff  }
0x12b: {  	v17 =	vld.idx.msk [tilespmem:v17+s12+$0x0], $0xffff  }
0x12c: {  	v14 =	vld.idx.msk [tilespmem:v14+s12+$0x0], $0xffff;
	[tilespmem:s22+$0x1E00] =	vst v22  }
0x12d: {  	[tilespmem:s22+$0x1C00] =	vst v2;
	v2 =	vld.idx.msk [tilespmem:v12+s12+$0x0], $0xffff  }
0x12e: {  	v12 =	vld.idx.msk [tilespmem:v15+s12+$0x0], $0xffff;
	[tilespmem:s24+$0x0] =	vst v0  }
0x12f: {  	[tilespmem:s24+$0x200] =	vst v1  }
0x130: {  	[tilespmem:s24+$0x400] =	vst v16  }
0x131: {  	v3 =	vld.idx.msk [tilespmem:v3+s12+$0x0], $0xffff;
	[tilespmem:s24+$0x600] =	vst v13  }
0x132: {  	v0 =	vld.idx.msk [tilespmem:v5+s12+$0x0], $0xffff;
	[tilespmem:s24+$0x800] =	vst v17  }
0x133: {  	v1 =	vld.idx.msk [tilespmem:v8+s12+$0x0], $0xffff;
	[tilespmem:s24+$0xA00] =	vst v14  }
0x134: {  	v5 =	vld.idx.msk [tilespmem:v6+s12+$0x0], $0xffff;
	[tilespmem:s24+$0xC00] =	vst v2  }
0x135: {  	v6 =	vld.idx.msk [tilespmem:v7+s12+$0x0], $0xffff;
	[tilespmem:s24+$0xE00] =	vst v12  }
0x136: {  	v2 =	vld.idx.msk [tilespmem:v4+s12+$0x0], $0xffff;
	[tilespmem:s23+$0x1000] =	vst v18  }
0x137: {  	[tilespmem:s23+$0x1200] =	vst v19;
	v4 =	vld.idx.msk [tilespmem:v11+s12+$0x0], $0xffff  }
0x138: {  	[tilespmem:s23+$0x1400] =	vst v0;
	v7 =	vld.idx.msk [tilespmem:v10+s12+$0x0], $0xffff  }
0x139: {  	[tilespmem:s23+$0x1600] =	vst v1;
	v0 =	vld.idx.msk [tilespmem:v27+s12+$0x0], $0xffff  }
0x13a: {  	[tilespmem:s23+$0x1800] =	vst v5;
	v1 =	vld.idx.msk [tilespmem:v26+s12+$0x0], $0xffff  }
0x13b: {  	[tilespmem:s23+$0x1A00] =	vst v3;
	v5 =	vld.idx.msk [tilespmem:v24+s12+$0x0], $0xffff  }
0x13c: {  	[tilespmem:s23+$0x1C00] =	vst v6;
	v8 =	vld.idx.msk [tilespmem:v25+s12+$0x0], $0xffff  }
0x13d: {  	v3 =	vld.idx.msk [tilespmem:v23+s12+$0x0], $0xffff;
	[tilespmem:s23+$0x1E00] =	vst v2  }
0x13e: {  	v2 =	vld.idx.msk [tilespmem:v9+s12+$0x0], $0xffff;
	[tilespmem:s24+$0x1000] =	vst v4  }
0x13f: {  	[tilespmem:s24+$0x1200] =	vst v7  }
0x140: {  	[tilespmem:s24+$0x1400] =	vst v0  }
0x141: {  	[tilespmem:s24+$0x1600] =	vst v1  }
0x142: {  	[tilespmem:s24+$0x1800] =	vst v5  }
0x143: {  	p1 =	seq.s32 s21, $0x18;
	[tilespmem:s24+$0x1A00] =	vst v8  }
0x144: {  	s22 =	sshrl.u32 @!p1 s25, $0x2;
	[tilespmem:s24+$0x1C00] =	vst v3  }
0x145: {  	s25 =	simm.s32 @!p1 $0x6400;
	s23 =	sadd.s32 @!p1 $0x400, s22;
	[tilespmem:s24+$0x1E00] =	vst v2;
	s24 =	simm.s32 @!p1 $0x200  }
0x146: {  	[tilespmem:s25], [sflag:$0x1] =	stream.indirect.gather @!p1 [hbm4b:s3+s24], $0x20, s23, s24, $0xb8;
	[tilespmem:$0x16400] =	vst v63  }
0x147: {  	s25 =	sshll.u32 s21, $0x14  }
0x148: {  	s23 =	sor.u32 s4, s25  }
0x149: {  	s23 =	sshrl.u32 s23, $0x3  }
0x14a: {  	s30 =	simm.s32 $0x10;
	s26 =	sadd.s32 s5, s23  }
0x14b: {  	v0 =	vmov s30;
	[hbm4b:s26+s9] =	stream.strided.scatter [tilespmem:s15], [sflag:$0x3], $0x4000, s10, s9, $0x38;
	[tilespmem:$0x16400] =	vst v63  }
0x14c: {  	v0 =	vshll.u32 v0, $0x5;
	_ =	swait.ge [sflag:s16], $0x4000  }
0x14d: {  	v4 =	vor.u32 v31, v0;
	[sflag:s16] =	ssyncset.done $0x0  }
0x14e: {  	v0 =	vor.u32 $0x1, v4;
	s24 =	simm.s32 @!p0 $0x4;
	[sflag:s16] =	ssyncadd.s32 $0xFFFFC000  }
0x14f: {  	v1 =	vor.u32 $0x2, v4;
	_ =	swait.ge @!p0 [sflag:s24], $0x4000  }
0x150: {  	v2 =	vor.u32 $0x3, v4;
	[sflag:s24] =	ssyncset.done @!p0 $0x0  }
0x151: {  	v3 =	vor.u32 $0x4, v4;
	[sflag:s24] =	ssyncadd.s32 @!p0 $0xFFFFC000  }
0x152: {  	v6 =	vor.u32 $0x5, v4;
	v5 =	vld.idx.msk [tilespmem:v4+s13+$0x0], $0xffff  }
0x153: {  	v7 =	vor.u32 $0x6, v4;
	v0 =	vld.idx.msk [tilespmem:v0+s13+$0x0], $0xffff  }
0x154: {  	v8 =	vor.u32 $0x7, v4;
	v1 =	vld.idx.msk [tilespmem:v1+s13+$0x0], $0xffff  }
0x155: {  	v2 =	vld.idx.msk [tilespmem:v2+s13+$0x0], $0xffff  }
0x156: {  	v3 =	vld.idx.msk [tilespmem:v3+s13+$0x0], $0xffff  }
0x157: {  	v6 =	vld.idx.msk [tilespmem:v6+s13+$0x0], $0xffff  }
0x158: {  	s24 =	simm.s32 $0x14400;
	v7 =	vld.idx.msk [tilespmem:v7+s13+$0x0], $0xffff  }
0x159: {  	v8 =	vld.idx.msk [tilespmem:v8+s13+$0x0], $0xffff;
	[tilespmem:s24+$0xFFFFE010] =	vst v5  }
0x15a: {  	[tilespmem:s24+$0xFFFFE210] =	vst v0  }
0x15b: {  	[tilespmem:s24+$0xFFFFE410] =	vst v1  }
0x15c: {  	v9 =	vor.u32 $0xF, v4;
	[tilespmem:s24+$0xFFFFE610] =	vst v2  }
0x15d: {  	v0 =	vor.u32 $0x8, v4;
	[tilespmem:s24+$0xFFFFE810] =	vst v3  }
0x15e: {  	v1 =	vor.u32 $0x9, v4;
	[tilespmem:s24+$0xFFFFEA10] =	vst v6  }
0x15f: {  	v2 =	vor.u32 $0xA, v4;
	[tilespmem:s24+$0xFFFFEC10] =	vst v7  }
0x160: {  	v5 =	vor.u32 $0xB, v4;
	[tilespmem:s24+$0xFFFFEE10] =	vst v8  }
0x161: {  	v6 =	vor.u32 $0xC, v4;
	v9 =	vld.idx.msk [tilespmem:v9+s13+$0x0], $0xffff  }
0x162: {  	s31 =	simm.s32 $0x0;
	v7 =	vor.u32 $0xD, v4;
	v0 =	vld.idx.msk [tilespmem:v0+s13+$0x0], $0xffff  }
0x163: {  	v3 =	vmov s31;
	v8 =	vor.u32 $0xE, v4;
	v1 =	vld.idx.msk [tilespmem:v1+s13+$0x0], $0xffff  }
0x164: {  	v3 =	vshll.u32 v3, $0x5;
	v2 =	vld.idx.msk [tilespmem:v2+s13+$0x0], $0xffff  }
0x165: {  	v3 =	vor.u32 v31, v3;
	v5 =	vld.idx.msk [tilespmem:v5+s13+$0x0], $0xffff  }
0x166: {  	v10 =	vor.u32 $0x1, v3;
	v6 =	vld.idx.msk [tilespmem:v6+s13+$0x0], $0xffff  }
0x167: {  	v11 =	vor.u32 $0x2, v3;
	v7 =	vld.idx.msk [tilespmem:v7+s13+$0x0], $0xffff  }
0x168: {  	v12 =	vor.u32 $0x3, v3;
	v8 =	vld.idx.msk [tilespmem:v8+s13+$0x0], $0xffff;
	[tilespmem:s24+$0xFFFFFE10] =	vst v9  }
0x169: {  	v13 =	vor.u32 $0x4, v3;
	[tilespmem:s24+$0xFFFFF010] =	vst v0  }
0x16a: {  	v14 =	vor.u32 $0x5, v3;
	v15 =	vld.idx.msk [tilespmem:v3+s13+$0x0], $0xffff;
	[tilespmem:s24+$0xFFFFF210] =	vst v1  }
0x16b: {  	v9 =	vor.u32 $0x14, v4;
	v10 =	vld.idx.msk [tilespmem:v10+s13+$0x0], $0xffff;
	[tilespmem:s24+$0xFFFFF410] =	vst v2  }
0x16c: {  	v11 =	vld.idx.msk [tilespmem:v11+s13+$0x0], $0xffff;
	v0 =	vor.u32 $0x6, v3;
	[tilespmem:s24+$0xFFFFF610] =	vst v5  }
0x16d: {  	v1 =	vor.u32 $0x7, v3;
	v2 =	vld.idx.msk [tilespmem:v12+s13+$0x0], $0xffff;
	[tilespmem:s24+$0xFFFFF810] =	vst v6  }
0x16e: {  	v5 =	vor.u32 $0x10, v4;
	v12 =	vld.idx.msk [tilespmem:v13+s13+$0x0], $0xffff;
	[tilespmem:s24+$0xFFFFFA10] =	vst v7  }
0x16f: {  	v13 =	vld.idx.msk [tilespmem:v14+s13+$0x0], $0xffff;
	v7 =	vor.u32 $0x12, v4;
	[tilespmem:s24+$0xFFFFFC10] =	vst v8  }
0x170: {  	v6 =	vor.u32 $0x11, v4;
	v9 =	vld.idx.msk [tilespmem:v9+s13+$0x0], $0xffff  }
0x171: {  	v8 =	vor.u32 $0x13, v4;
	v0 =	vld.idx.msk [tilespmem:v0+s13+$0x0], $0xffff  }
0x172: {  	v1 =	vld.idx.msk [tilespmem:v1+s13+$0x0], $0xffff;
	[tilespmem:s24+$0xFFFFE200] =	vst v10;
	v10 =	vor.u32 $0x15, v4  }
0x173: {  	v5 =	vld.idx.msk [tilespmem:v5+s13+$0x0], $0xffff;
	[tilespmem:s24+$0xFFFFE400] =	vst v11;
	v11 =	vor.u32 $0x16, v4  }
0x174: {  	[tilespmem:s24+$0xFFFFE600] =	vst v2;
	v2 =	vld.idx.msk [tilespmem:v7+s13+$0x0], $0xffff;
	v7 =	vor.u32 $0x17, v4  }
0x175: {  	v6 =	vld.idx.msk [tilespmem:v6+s13+$0x0], $0xffff;
	[tilespmem:s24+$0xFFFFE800] =	vst v12;
	v12 =	vor.u32 $0x8, v3  }
0x176: {  	v8 =	vld.idx.msk [tilespmem:v8+s13+$0x0], $0xffff;
	[tilespmem:s24+$0xFFFFEA00] =	vst v13;
	v13 =	vor.u32 $0x9, v3  }
0x177: {  	v17 =	vor.u32 $0xF, v3;
	[tilespmem:s24+$0xFFFFEC00] =	vst v0;
	v0 =	vld.idx.msk [tilespmem:v10+s13+$0x0], $0xffff  }
0x178: {  	v10 =	vor.u32 $0xA, v3;
	[tilespmem:s24+$0xFFFFEE00] =	vst v1;
	v1 =	vld.idx.msk [tilespmem:v11+s13+$0x0], $0xffff  }
0x179: {  	[tilespmem:s24+$0xFFFFE000] =	vst v15;
	v11 =	vor.u32 $0xB, v3;
	v7 =	vld.idx.msk [tilespmem:v7+s13+$0x0], $0xffff  }
0x17a: {  	v14 =	vor.u32 $0xC, v3;
	[tilespmem:s24+$0x10] =	vst v5;
	v12 =	vld.idx.msk [tilespmem:v12+s13+$0x0], $0xffff  }
0x17b: {  	v5 =	vor.u32 $0xD, v3;
	[tilespmem:s24+$0x210] =	vst v6;
	v13 =	vld.idx.msk [tilespmem:v13+s13+$0x0], $0xffff  }
0x17c: {  	v6 =	vor.u32 $0xE, v3;
	[tilespmem:s24+$0x410] =	vst v2;
	v17 =	vld.idx.msk [tilespmem:v17+s13+$0x0], $0xffff  }
0x17d: {  	[tilespmem:s24+$0x610] =	vst v8;
	v2 =	vor.u32 $0x18, v4;
	v10 =	vld.idx.msk [tilespmem:v10+s13+$0x0], $0xffff  }
0x17e: {  	[tilespmem:s24+$0x810] =	vst v9;
	v9 =	vor.u32 $0x1F, v4;
	v8 =	vld.idx.msk [tilespmem:v11+s13+$0x0], $0xffff  }
0x17f: {  	v11 =	vld.idx.msk [tilespmem:v14+s13+$0x0], $0xffff;
	[tilespmem:s24+$0xA10] =	vst v0;
	v0 =	vor.u32 $0x19, v4  }
0x180: {  	v14 =	vld.idx.msk [tilespmem:v5+s13+$0x0], $0xffff;
	[tilespmem:s24+$0xC10] =	vst v1;
	v1 =	vor.u32 $0x1A, v4  }
0x181: {  	v6 =	vld.idx.msk [tilespmem:v6+s13+$0x0], $0xffff;
	[tilespmem:s24+$0xE10] =	vst v7;
	v5 =	vor.u32 $0x1B, v4  }
0x182: {  	s26 =	simm.s32 $0x30;
	v15 =	vor.u32 $0x1C, v4;
	v7 =	vld.idx.msk [tilespmem:v2+s13+$0x0], $0xffff  }
0x183: {  	v16 =	vor.u32 $0x1D, v4;
	v9 =	vld.idx.msk [tilespmem:v9+s13+$0x0], $0xffff;
	v2 =	vmov s26  }
0x184: {  	v23 =	vor.u32 $0x1E, v4;
	v2 =	vshll.u32 v2, $0x5;
	v0 =	vld.idx.msk [tilespmem:v0+s13+$0x0], $0xffff  }
0x185: {  	v2 =	vor.u32 v31, v2;
	v18 =	vld.idx.msk [tilespmem:v1+s13+$0x0], $0xffff  }
0x186: {  	v20 =	vor.u32 $0x1, v2;
	v19 =	vld.idx.msk [tilespmem:v5+s13+$0x0], $0xffff  }
0x187: {  	v5 =	vld.idx.msk [tilespmem:v15+s13+$0x0], $0xffff;
	v15 =	vor.u32 $0x2, v2  }
0x188: {  	[tilespmem:s24+$0xFFFFF000] =	vst v12;
	v21 =	vor.u32 $0x4, v2;
	v1 =	vld.idx.msk [tilespmem:v16+s13+$0x0], $0xffff  }
0x189: {  	v22 =	vor.u32 $0x5, v2;
	[tilespmem:s24+$0xFFFFFC00] =	vst v6;
	v6 =	vld.idx.msk [tilespmem:v23+s13+$0x0], $0xffff  }
0x18a: {  	[tilespmem:s24+$0xFFFFF200] =	vst v13;
	v16 =	vor.u32 $0x3, v2;
	v12 =	vld.idx.msk [tilespmem:v2+s13+$0x0], $0xffff  }
0x18b: {  	[tilespmem:s24+$0xFFFFFE00] =	vst v17;
	v13 =	vld.idx.msk [tilespmem:v20+s13+$0x0], $0xffff;
	v20 =	vor.u32 $0x6, v2  }
0x18c: {  	s30 =	simm.s32 $0x20;
	[tilespmem:s24+$0xFFFFF400] =	vst v10;
	v10 =	vld.idx.msk [tilespmem:v15+s13+$0x0], $0xffff;
	v15 =	vor.u32 $0x7, v2  }
0x18d: {  	v4 =	vmov s30;
	[tilespmem:s24+$0xFFFFF800] =	vst v11;
	v11 =	vld.idx.msk [tilespmem:v21+s13+$0x0], $0xffff  }
0x18e: {  	v4 =	vshll.u32 v4, $0x5;
	[tilespmem:s24+$0xFFFFFA00] =	vst v14;
	v14 =	vld.idx.msk [tilespmem:v22+s13+$0x0], $0xffff  }
0x18f: {  	v4 =	vor.u32 v31, v4;
	[tilespmem:s24+$0xFFFFF600] =	vst v8;
	v8 =	vld.idx.msk [tilespmem:v16+s13+$0x0], $0xffff  }
0x190: {  	s25 =	simm.s32 $0x14420;
	v17 =	vor.u32 $0x2, v4;
	[tilespmem:s24+$0x1E10] =	vst v9;
	v20 =	vld.idx.msk [tilespmem:v20+s13+$0x0], $0xffff  }
0x191: {  	v26 =	vor.u32 $0x6, v4;
	v15 =	vld.idx.msk [tilespmem:v15+s13+$0x0], $0xffff;
	[tilespmem:s25+$0xFFFFE010] =	vst v12  }
0x192: {  	v9 =	vor.u32 $0x5, v4;
	[tilespmem:s25+$0xFFFFE210] =	vst v13  }
0x193: {  	v21 =	vor.u32 $0x11, v3;
	[tilespmem:s25+$0xFFFFE410] =	vst v10  }
0x194: {  	[tilespmem:s25+$0xFFFFE610] =	vst v8;
	v8 =	vor.u32 $0x8, v2  }
0x195: {  	v17 =	vld.idx.msk [tilespmem:v17+s13+$0x0], $0xffff;
	[tilespmem:s25+$0xFFFFE810] =	vst v11;
	v11 =	vor.u32 $0x9, v2  }
0x196: {  	v26 =	vld.idx.msk [tilespmem:v26+s13+$0x0], $0xffff;
	[tilespmem:s25+$0xFFFFEA10] =	vst v14;
	v14 =	vor.u32 $0xA, v2  }
0x197: {  	v23 =	vor.u32 $0xD, v2;
	v9 =	vld.idx.msk [tilespmem:v9+s13+$0x0], $0xffff;
	[tilespmem:s25+$0xFFFFEC10] =	vst v20  }
0x198: {  	v24 =	vor.u32 $0xE, v2;
	v21 =	vld.idx.msk [tilespmem:v21+s13+$0x0], $0xffff;
	[tilespmem:s25+$0xFFFFEE10] =	vst v15  }
0x199: {  	v25 =	vor.u32 $0xF, v2;
	v8 =	vld.idx.msk [tilespmem:v8+s13+$0x0], $0xffff  }
0x19a: {  	[tilespmem:s24+$0x1010] =	vst v7;
	v20 =	vor.u32 $0xB, v2;
	v11 =	vld.idx.msk [tilespmem:v11+s13+$0x0], $0xffff  }
0x19b: {  	[tilespmem:s24+$0x1210] =	vst v0;
	v15 =	vor.u32 $0xC, v2;
	v14 =	vld.idx.msk [tilespmem:v14+s13+$0x0], $0xffff  }
0x19c: {  	v22 =	vor.u32 $0x1, v4;
	[tilespmem:s24+$0x1410] =	vst v18;
	v0 =	vld.idx.msk [tilespmem:v23+s13+$0x0], $0xffff  }
0x19d: {  	v16 =	vor.u32 $0x10, v3;
	[tilespmem:s24+$0x1610] =	vst v19;
	v18 =	vld.idx.msk [tilespmem:v24+s13+$0x0], $0xffff  }
0x19e: {  	[tilespmem:s24+$0x1810] =	vst v5;
	v19 =	vld.idx.msk [tilespmem:v25+s13+$0x0], $0xffff  }
0x19f: {  	[tilespmem:s24+$0x1A10] =	vst v1;
	v12 =	vor.u32 $0x3, v4;
	v20 =	vld.idx.msk [tilespmem:v20+s13+$0x0], $0xffff  }
0x1a0: {  	v13 =	vor.u32 $0x4, v4;
	v7 =	vld.idx.msk [tilespmem:v15+s13+$0x0], $0xffff;
	[tilespmem:s25+$0xFFFFF010] =	vst v8  }
0x1a1: {  	v22 =	vld.idx.msk [tilespmem:v22+s13+$0x0], $0xffff;
	v23 =	vor.u32 $0x12, v3;
	[tilespmem:s25+$0xFFFFF210] =	vst v11  }
0x1a2: {  	v16 =	vld.idx.msk [tilespmem:v16+s13+$0x0], $0xffff;
	v24 =	vor.u32 $0x13, v3;
	[tilespmem:s25+$0xFFFFF410] =	vst v14  }
0x1a3: {  	v10 =	vld.idx.msk [tilespmem:v4+s13+$0x0], $0xffff;
	v15 =	vor.u32 $0x7, v4;
	[tilespmem:s25+$0xFFFFFA10] =	vst v0  }
0x1a4: {  	v12 =	vld.idx.msk [tilespmem:v12+s13+$0x0], $0xffff;
	v25 =	vor.u32 $0x14, v3;
	[tilespmem:s25+$0xFFFFFC10] =	vst v18  }
0x1a5: {  	v13 =	vld.idx.msk [tilespmem:v13+s13+$0x0], $0xffff;
	v8 =	vor.u32 $0x15, v3;
	[tilespmem:s25+$0xFFFFFE10] =	vst v19  }
0x1a6: {  	v11 =	vor.u32 $0x16, v3;
	v14 =	vld.idx.msk [tilespmem:v23+s13+$0x0], $0xffff;
	[tilespmem:s25+$0xFFFFF610] =	vst v20  }
0x1a7: {  	v23 =	vld.idx.msk [tilespmem:v24+s13+$0x0], $0xffff;
	v0 =	vor.u32 $0x12, v2;
	[tilespmem:s25+$0xFFFFF810] =	vst v7  }
0x1a8: {  	v18 =	vor.u32 $0x13, v2;
	v15 =	vld.idx.msk [tilespmem:v15+s13+$0x0], $0xffff;
	[tilespmem:s25+$0xFFFFE200] =	vst v22  }
0x1a9: {  	v24 =	vld.idx.msk [tilespmem:v25+s13+$0x0], $0xffff;
	v19 =	vor.u32 $0x14, v2;
	[tilespmem:s25+$0xFFFFE400] =	vst v17  }
0x1aa: {  	v25 =	vor.u32 $0x17, v3;
	[tilespmem:s25+$0xFFFFE600] =	vst v12;
	v8 =	vld.idx.msk [tilespmem:v8+s13+$0x0], $0xffff  }
0x1ab: {  	v20 =	vor.u32 $0x10, v2;
	[tilespmem:s25+$0xFFFFE800] =	vst v13;
	v11 =	vld.idx.msk [tilespmem:v11+s13+$0x0], $0xffff  }
0x1ac: {  	v7 =	vor.u32 $0x11, v2;
	[tilespmem:s25+$0xFFFFEA00] =	vst v9;
	v0 =	vld.idx.msk [tilespmem:v0+s13+$0x0], $0xffff  }
0x1ad: {  	v22 =	vor.u32 $0x15, v2;
	[tilespmem:s25+$0xFFFFEC00] =	vst v26;
	v13 =	vld.idx.msk [tilespmem:v18+s13+$0x0], $0xffff  }
0x1ae: {  	v17 =	vor.u32 $0x16, v2;
	[tilespmem:s25+$0xFFFFE000] =	vst v10;
	v9 =	vld.idx.msk [tilespmem:v19+s13+$0x0], $0xffff  }
0x1af: {  	v12 =	vor.u32 $0x17, v2;
	v25 =	vld.idx.msk [tilespmem:v25+s13+$0x0], $0xffff;
	[tilespmem:s24+$0x0] =	vst v16  }
0x1b0: {  	[tilespmem:s24+$0x200] =	vst v21;
	v20 =	vld.idx.msk [tilespmem:v20+s13+$0x0], $0xffff  }
0x1b1: {  	[tilespmem:s24+$0x400] =	vst v14;
	v7 =	vld.idx.msk [tilespmem:v7+s13+$0x0], $0xffff  }
0x1b2: {  	v18 =	vor.u32 $0x8, v4;
	[tilespmem:s24+$0x600] =	vst v23;
	v22 =	vld.idx.msk [tilespmem:v22+s13+$0x0], $0xffff  }
0x1b3: {  	v19 =	vor.u32 $0x9, v4;
	[tilespmem:s25+$0xFFFFEE00] =	vst v15;
	v15 =	vld.idx.msk [tilespmem:v17+s13+$0x0], $0xffff  }
0x1b4: {  	v26 =	vor.u32 $0xA, v4;
	v10 =	vld.idx.msk [tilespmem:v12+s13+$0x0], $0xffff;
	[tilespmem:s25+$0x410] =	vst v0  }
0x1b5: {  	v21 =	vor.u32 $0xF, v4;
	[tilespmem:s25+$0x610] =	vst v13  }
0x1b6: {  	v17 =	vor.u32 $0xB, v4;
	[tilespmem:s25+$0x810] =	vst v9  }
0x1b7: {  	v12 =	vor.u32 $0xC, v4;
	v18 =	vld.idx.msk [tilespmem:v18+s13+$0x0], $0xffff;
	[tilespmem:s24+$0xE00] =	vst v25  }
0x1b8: {  	v19 =	vld.idx.msk [tilespmem:v19+s13+$0x0], $0xffff;
	v13 =	vor.u32 $0x18, v2;
	[tilespmem:s25+$0x10] =	vst v20  }
0x1b9: {  	v0 =	vld.idx.msk [tilespmem:v26+s13+$0x0], $0xffff;
	v9 =	vor.u32 $0x1F, v2;
	[tilespmem:s25+$0x210] =	vst v7  }
0x1ba: {  	v5 =	vor.u32 $0x1C, v2;
	v21 =	vld.idx.msk [tilespmem:v21+s13+$0x0], $0xffff;
	[tilespmem:s25+$0xA10] =	vst v22  }
0x1bb: {  	v25 =	vor.u32 $0x1D, v3;
	v17 =	vld.idx.msk [tilespmem:v17+s13+$0x0], $0xffff;
	[tilespmem:s25+$0xC10] =	vst v15  }
0x1bc: {  	v20 =	vor.u32 $0xD, v4;
	v12 =	vld.idx.msk [tilespmem:v12+s13+$0x0], $0xffff;
	[tilespmem:s25+$0xE10] =	vst v10  }
0x1bd: {  	[tilespmem:s24+$0x800] =	vst v24;
	v7 =	vor.u32 $0xE, v4;
	v13 =	vld.idx.msk [tilespmem:v13+s13+$0x0], $0xffff  }
0x1be: {  	s26 =	simm.s32 $0x50;
	[tilespmem:s24+$0xA00] =	vst v8;
	v22 =	vor.u32 $0x19, v2;
	v9 =	vld.idx.msk [tilespmem:v9+s13+$0x0], $0xffff  }
0x1bf: {  	v1 =	vmov s26;
	[tilespmem:s24+$0xC00] =	vst v11;
	v15 =	vor.u32 $0x1A, v2;
	v23 =	vld.idx.msk [tilespmem:v5+s13+$0x0], $0xffff  }
0x1c0: {  	v1 =	vshll.u32 v1, $0x5;
	v10 =	vor.u32 $0x1D, v2;
	v29 =	vld.idx.msk [tilespmem:v25+s13+$0x0], $0xffff  }
0x1c1: {  	v8 =	vor.u32 v31, v1;
	v20 =	vld.idx.msk [tilespmem:v20+s13+$0x0], $0xffff  }
0x1c2: {  	v26 =	vld.idx.msk [tilespmem:v7+s13+$0x0], $0xffff;
	v7 =	vor.u32 $0x1B, v2  }
0x1c3: {  	v16 =	vld.idx.msk [tilespmem:v22+s13+$0x0], $0xffff;
	v2 =	vor.u32 $0x1E, v2  }
0x1c4: {  	v14 =	vld.idx.msk [tilespmem:v15+s13+$0x0], $0xffff;
	v15 =	vor.u32 $0x18, v3  }
0x1c5: {  	v28 =	vld.idx.msk [tilespmem:v10+s13+$0x0], $0xffff;
	v10 =	vor.u32 $0x1B, v3;
	[tilespmem:s25+$0xFFFFF000] =	vst v18  }
0x1c6: {  	v18 =	vor.u32 $0x1, v8;
	[tilespmem:s25+$0xFFFFF800] =	vst v12;
	v12 =	vld.idx.msk [tilespmem:v8+s13+$0x0], $0xffff  }
0x1c7: {  	[tilespmem:s25+$0xFFFFF200] =	vst v19;
	v19 =	vor.u32 $0x2, v8;
	v22 =	vld.idx.msk [tilespmem:v7+s13+$0x0], $0xffff  }
0x1c8: {  	v7 =	vor.u32 $0x19, v3;
	v11 =	vld.idx.msk [tilespmem:v2+s13+$0x0], $0xffff  }
0x1c9: {  	v24 =	vor.u32 $0x1A, v3;
	v5 =	vld.idx.msk [tilespmem:v15+s13+$0x0], $0xffff  }
0x1ca: {  	[tilespmem:s24+$0x1C10] =	vst v6;
	v2 =	vor.u32 $0x1C, v3;
	v10 =	vld.idx.msk [tilespmem:v10+s13+$0x0], $0xffff  }
0x1cb: {  	[tilespmem:s25+$0xFFFFF400] =	vst v0;
	v15 =	vor.u32 $0x1E, v3;
	v18 =	vld.idx.msk [tilespmem:v18+s13+$0x0], $0xffff  }
0x1cc: {  	v0 =	vor.u32 $0x3, v8;
	[tilespmem:s25+$0xFFFFF600] =	vst v17;
	v25 =	vld.idx.msk [tilespmem:v19+s13+$0x0], $0xffff  }
0x1cd: {  	v17 =	vor.u32 $0x5, v8;
	[tilespmem:s25+$0xFFFFFA00] =	vst v20;
	v6 =	vld.idx.msk [tilespmem:v7+s13+$0x0], $0xffff  }
0x1ce: {  	s31 =	simm.s32 $0x40;
	v20 =	vor.u32 $0x6, v8;
	[tilespmem:s25+$0x1E10] =	vst v9;
	v7 =	vld.idx.msk [tilespmem:v24+s13+$0x0], $0xffff  }
0x1cf: {  	[tilespmem:s25+$0xFFFFFC00] =	vst v26;
	v26 =	vor.u32 $0x7, v8;
	v9 =	vld.idx.msk [tilespmem:v2+s13+$0x0], $0xffff;
	v24 =	vmov s31  }
0x1d0: {  	[tilespmem:s25+$0xFFFFFE00] =	vst v21;
	v2 =	vld.idx.msk [tilespmem:v15+s13+$0x0], $0xffff;
	v15 =	vor.u32 $0x4, v8;
	v24 =	vshll.u32 v24, $0x5  }
0x1d1: {  	v0 =	vld.idx.msk [tilespmem:v0+s13+$0x0], $0xffff;
	[tilespmem:s25+$0x1010] =	vst v13;
	v19 =	vor.u32 v31, v24  }
0x1d2: {  	[tilespmem:s25+$0x1210] =	vst v16;
	v16 =	vld.idx.msk [tilespmem:v17+s13+$0x0], $0xffff;
	v21 =	vor.u32 $0x1, v19  }
0x1d3: {  	[tilespmem:s25+$0x1410] =	vst v14;
	v14 =	vld.idx.msk [tilespmem:v20+s13+$0x0], $0xffff;
	v17 =	vor.u32 $0x3, v19  }
0x1d4: {  	[tilespmem:s25+$0x1610] =	vst v22;
	v22 =	vld.idx.msk [tilespmem:v26+s13+$0x0], $0xffff;
	v20 =	vor.u32 $0x4, v19  }
0x1d5: {  	s26 =	simm.s32 $0x14440;
	[tilespmem:s25+$0x1810] =	vst v23;
	v24 =	vor.u32 $0x5, v19;
	v13 =	vld.idx.msk [tilespmem:v15+s13+$0x0], $0xffff  }
0x1d6: {  	v15 =	vor.u32 $0x2, v19;
	[tilespmem:s26+$0xFFFFE010] =	vst v12;
	v26 =	vld.idx.msk [tilespmem:v19+s13+$0x0], $0xffff  }
0x1d7: {  	v12 =	vor.u32 $0x6, v19;
	[tilespmem:s26+$0xFFFFE210] =	vst v18;
	v21 =	vld.idx.msk [tilespmem:v21+s13+$0x0], $0xffff  }
0x1d8: {  	v18 =	vor.u32 $0x7, v19;
	[tilespmem:s26+$0xFFFFE410] =	vst v25;
	v17 =	vld.idx.msk [tilespmem:v17+s13+$0x0], $0xffff  }
0x1d9: {  	[tilespmem:s26+$0xFFFFE610] =	vst v0;
	v0 =	vor.u32 $0x8, v8;
	v20 =	vld.idx.msk [tilespmem:v20+s13+$0x0], $0xffff  }
0x1da: {  	[tilespmem:s26+$0xFFFFEA10] =	vst v16;
	v16 =	vor.u32 $0xA, v8;
	v24 =	vld.idx.msk [tilespmem:v24+s13+$0x0], $0xffff  }
0x1db: {  	[tilespmem:s26+$0xFFFFEC10] =	vst v14;
	v14 =	vor.u32 $0xB, v8;
	v15 =	vld.idx.msk [tilespmem:v15+s13+$0x0], $0xffff  }
0x1dc: {  	v23 =	vor.u32 $0xD, v8;
	[tilespmem:s26+$0xFFFFEE10] =	vst v22;
	v12 =	vld.idx.msk [tilespmem:v12+s13+$0x0], $0xffff  }
0x1dd: {  	v25 =	vor.u32 $0xE, v8;
	[tilespmem:s26+$0xFFFFE810] =	vst v13;
	v18 =	vld.idx.msk [tilespmem:v18+s13+$0x0], $0xffff  }
0x1de: {  	[tilespmem:s25+$0x1C10] =	vst v11;
	v13 =	vor.u32 $0x9, v8;
	v0 =	vld.idx.msk [tilespmem:v0+s13+$0x0], $0xffff  }
0x1df: {  	v22 =	vor.u32 $0xC, v8;
	v11 =	vld.idx.msk [tilespmem:v16+s13+$0x0], $0xffff;
	[tilespmem:s26+$0xFFFFE200] =	vst v21  }
0x1e0: {  	v16 =	vor.u32 $0xF, v8;
	v14 =	vld.idx.msk [tilespmem:v14+s13+$0x0], $0xffff;
	[tilespmem:s26+$0xFFFFE600] =	vst v17  }
0x1e1: {  	v1 =	vor.u32 $0x10, v4;
	v17 =	vld.idx.msk [tilespmem:v23+s13+$0x0], $0xffff;
	[tilespmem:s26+$0xFFFFE800] =	vst v20  }
0x1e2: {  	v21 =	vor.u32 $0x11, v4;
	v20 =	vld.idx.msk [tilespmem:v25+s13+$0x0], $0xffff;
	[tilespmem:s26+$0xFFFFEA00] =	vst v24  }
0x1e3: {  	v23 =	vor.u32 $0x13, v4;
	v13 =	vld.idx.msk [tilespmem:v13+s13+$0x0], $0xffff;
	[tilespmem:s26+$0xFFFFE400] =	vst v15  }
0x1e4: {  	v25 =	vor.u32 $0x14, v4;
	v15 =	vld.idx.msk [tilespmem:v22+s13+$0x0], $0xffff;
	[tilespmem:s26+$0xFFFFEC00] =	vst v12  }
0x1e5: {  	v24 =	vor.u32 $0x15, v4;
	v16 =	vld.idx.msk [tilespmem:v16+s13+$0x0], $0xffff;
	[tilespmem:s26+$0xFFFFF010] =	vst v0  }
0x1e6: {  	v1 =	vld.idx.msk [tilespmem:v1+s13+$0x0], $0xffff;
	v22 =	vor.u32 $0x12, v4;
	[tilespmem:s26+$0xFFFFF410] =	vst v11  }
0x1e7: {  	v0 =	vor.u32 $0x16, v4;
	[tilespmem:s26+$0xFFFFF610] =	vst v14;
	v21 =	vld.idx.msk [tilespmem:v21+s13+$0x0], $0xffff  }
0x1e8: {  	v14 =	vor.u32 $0x10, v8;
	v11 =	vld.idx.msk [tilespmem:v23+s13+$0x0], $0xffff;
	[tilespmem:s26+$0xFFFFFA10] =	vst v17  }
0x1e9: {  	v23 =	vld.idx.msk [tilespmem:v25+s13+$0x0], $0xffff;
	v17 =	vor.u32 $0x12, v8;
	[tilespmem:s26+$0xFFFFFC10] =	vst v20  }
0x1ea: {  	v24 =	vld.idx.msk [tilespmem:v24+s13+$0x0], $0xffff;
	v20 =	vor.u32 $0x13, v8;
	[tilespmem:s26+$0xFFFFF210] =	vst v13  }
0x1eb: {  	v13 =	vor.u32 $0x17, v4;
	v22 =	vld.idx.msk [tilespmem:v22+s13+$0x0], $0xffff;
	[tilespmem:s26+$0xFFFFF810] =	vst v15  }
0x1ec: {  	v15 =	vor.u32 $0x11, v8;
	v0 =	vld.idx.msk [tilespmem:v0+s13+$0x0], $0xffff;
	[tilespmem:s26+$0xFFFFFE10] =	vst v16  }
0x1ed: {  	[tilespmem:s26+$0xFFFFEE00] =	vst v18;
	v18 =	vor.u32 $0x16, v8;
	v12 =	vld.idx.msk [tilespmem:v14+s13+$0x0], $0xffff  }
0x1ee: {  	[tilespmem:s25+$0x1A10] =	vst v28;
	v25 =	vor.u32 $0x17, v8;
	v17 =	vld.idx.msk [tilespmem:v17+s13+$0x0], $0xffff  }
0x1ef: {  	v3 =	vor.u32 $0x1F, v3;
	[tilespmem:s26+$0xFFFFE000] =	vst v26;
	v20 =	vld.idx.msk [tilespmem:v20+s13+$0x0], $0xffff  }
0x1f0: {  	v16 =	vor.u32 $0x14, v8;
	v13 =	vld.idx.msk [tilespmem:v13+s13+$0x0], $0xffff;
	[tilespmem:s25+$0x0] =	vst v1  }
0x1f1: {  	v14 =	vor.u32 $0x15, v8;
	v15 =	vld.idx.msk [tilespmem:v15+s13+$0x0], $0xffff;
	[tilespmem:s25+$0x200] =	vst v21  }
0x1f2: {  	v26 =	vor.u32 $0x8, v19;
	[tilespmem:s25+$0x600] =	vst v11;
	v11 =	vld.idx.msk [tilespmem:v18+s13+$0x0], $0xffff  }
0x1f3: {  	v21 =	vor.u32 $0x9, v19;
	[tilespmem:s25+$0x800] =	vst v23;
	v23 =	vld.idx.msk [tilespmem:v25+s13+$0x0], $0xffff  }
0x1f4: {  	[tilespmem:s25+$0x400] =	vst v22;
	v1 =	vor.u32 $0xA, v19;
	v22 =	vld.idx.msk [tilespmem:v3+s13+$0x0], $0xffff  }
0x1f5: {  	v18 =	vor.u32 $0xB, v19;
	v16 =	vld.idx.msk [tilespmem:v16+s13+$0x0], $0xffff;
	[tilespmem:s25+$0xC00] =	vst v0  }
0x1f6: {  	v3 =	vor.u32 $0xD, v19;
	v14 =	vld.idx.msk [tilespmem:v14+s13+$0x0], $0xffff;
	[tilespmem:s26+$0x10] =	vst v12  }
0x1f7: {  	v26 =	vld.idx.msk [tilespmem:v26+s13+$0x0], $0xffff;
	v25 =	vor.u32 $0xC, v19;
	[tilespmem:s26+$0x410] =	vst v17  }
0x1f8: {  	v12 =	vor.u32 $0xE, v19;
	[tilespmem:s26+$0x610] =	vst v20;
	v27 =	vld.idx.msk [tilespmem:v21+s13+$0x0], $0xffff  }
0x1f9: {  	v0 =	vor.u32 $0x1D, v8;
	[tilespmem:s26+$0x210] =	vst v15;
	v1 =	vld.idx.msk [tilespmem:v1+s13+$0x0], $0xffff  }
0x1fa: {  	v15 =	vor.u32 $0x18, v8;
	v39 =	vld.idx.msk [tilespmem:v18+s13+$0x0], $0xffff;
	[tilespmem:s26+$0xC10] =	vst v11  }
0x1fb: {  	v41 =	vld.idx.msk [tilespmem:v3+s13+$0x0], $0xffff;
	v3 =	vor.u32 $0x1A, v8;
	[tilespmem:s26+$0xE10] =	vst v23  }
0x1fc: {  	v40 =	vld.idx.msk [tilespmem:v25+s13+$0x0], $0xffff;
	v11 =	vor.u32 $0x1B, v8;
	[tilespmem:s26+$0x810] =	vst v16  }
0x1fd: {  	[tilespmem:s26+$0xA10] =	vst v14;
	v14 =	vor.u32 $0x19, v8;
	v38 =	vld.idx.msk [tilespmem:v12+s13+$0x0], $0xffff  }
0x1fe: {  	[tilespmem:s25+$0xA00] =	vst v24;
	v16 =	vor.u32 $0x1F, v8;
	v47 =	vld.idx.msk [tilespmem:v0+s13+$0x0], $0xffff  }
0x1ff: {  	[tilespmem:s24+$0x1000] =	vst v5;
	v18 =	vor.u32 $0xF, v19;
	v35 =	vld.idx.msk [tilespmem:v15+s13+$0x0], $0xffff  }
0x200: {  	v30 =	vor.u32 $0x19, v4;
	[tilespmem:s24+$0x1200] =	vst v6;
	v23 =	vor.u32 $0x18, v4;
	v37 =	vld.idx.msk [tilespmem:v3+s13+$0x0], $0xffff  }
0x201: {  	v28 =	vor.u32 $0x1A, v19;
	v5 =	vor.u32 $0x1A, v4;
	[tilespmem:s24+$0x1400] =	vst v7;
	v12 =	vor.u32 $0x1C, v8;
	v45 =	vld.idx.msk [tilespmem:v11+s13+$0x0], $0xffff  }
0x202: {  	v6 =	vor.u32 $0x1C, v4;
	v7 =	vor.u32 $0x1E, v4;
	[tilespmem:s24+$0x1600] =	vst v10;
	v36 =	vld.idx.msk [tilespmem:v14+s13+$0x0], $0xffff;
	v14 =	vor.u32 $0x1E, v8  }
0x203: {  	[tilespmem:s24+$0x1800] =	vst v9;
	v10 =	vor.u32 $0x19, v19;
	v24 =	vor.u32 $0x1C, v19;
	v9 =	vor.u32 $0x1F, v19;
	v15 =	vld.idx.msk [tilespmem:v16+s13+$0x0], $0xffff  }
0x204: {  	v20 =	vor.u32 $0x10, v19;
	v17 =	vor.u32 $0x14, v19;
	[tilespmem:s25+$0xE00] =	vst v13;
	v21 =	vor.u32 $0x11, v19;
	v32 =	vld.idx.msk [tilespmem:v18+s13+$0x0], $0xffff  }
0x205: {  	v13 =	vor.u32 $0x13, v19;
	v25 =	vor.u32 $0x1D, v19;
	v3 =	vor.u32 $0x1D, v4;
	[tilespmem:s26+$0xFFFFF000] =	vst v26;
	v18 =	vld.idx.msk [tilespmem:v23+s13+$0x0], $0xffff  }
0x206: {  	v11 =	vor.u32 $0x18, v19;
	v26 =	vor.u32 $0x1B, v19;
	[tilespmem:s26+$0xFFFFF200] =	vst v27;
	v23 =	vor.u32 $0x1E, v19;
	v46 =	vld.idx.msk [tilespmem:v12+s13+$0x0], $0xffff  }
0x207: {  	[tilespmem:s26+$0xFFFFF400] =	vst v1;
	v16 =	vor.u32 $0x12, v19;
	v8 =	vor.u32 $0x1B, v4;
	v4 =	vor.u32 $0x1F, v4;
	v48 =	vld.idx.msk [tilespmem:v14+s13+$0x0], $0xffff  }
0x208: {  	s28 =	simm.s32 $0x4;
	s29 =	simm.s32 $0x60;
	v12 =	vor.u32 $0x16, v19;
	v14 =	vor.u32 $0x15, v19;
	[tilespmem:s26+$0x1E10] =	vst v15;
	v15 =	vor.u32 $0x17, v19;
	v19 =	vld.idx.msk [tilespmem:v30+s13+$0x0], $0xffff  }
.LBB2_5:
0x209: {  	[tilespmem:s26+$0xFFFFF600] =	vst v39  }
0x20a: {  	v1 =	vld.idx.msk [tilespmem:v5+s13+$0x0], $0xffff;
	_ =	sdelay $0x3  }
0x20b: {  	[tilespmem:s26+$0xFFFFF800] =	vst v40  }
0x20c: {  	[tilespmem:$0x1FFB0] =	vst v1;
	v1 =	vld.idx.msk [tilespmem:v8+s13+$0x0], $0xffff;
	_ =	sdelay $0x1  }
0x20d: {  	v0 =	vmov s29  }
0x20e: {  	v0 =	vshll.u32 v0, $0x5;
	[tilespmem:s26+$0xFFFFFA00] =	vst v41  }
0x20f: {  	v0 =	vor.u32 v31, v0;
	v30 =	vld.idx.msk [tilespmem:v6+s13+$0x0], $0xffff;
	[tilespmem:s26+$0xFFFFFC00] =	vst v38  }
0x210: {  	[tilespmem:$0x1FFC0] =	vst v1;
	v1 =	vld [tilespmem:$0x1FFF0]  }
0x211: {  	v6 =	vmov v24;
	v24 =	vld.idx.msk [tilespmem:v3+s13+$0x0], $0xffff;
	[tilespmem:s26+$0xFFFFFE00] =	vst v32  }
0x212: {  	s30 =	sadd.s32 $0x10, s29;
	v42 =	vld.idx.msk [tilespmem:v20+s13+$0x0], $0xffff  }
0x213: {  	v5 =	vmov v28;
	v28 =	vmov s30;
	v49 =	vor.u32 $0x1, v0;
	v43 =	vld.idx.msk [tilespmem:v21+s13+$0x0], $0xffff  }
0x214: {  	v53 =	vor.u32 $0x5, v0;
	v8 =	vmov v26;
	v26 =	vshll.u32 v28, $0x5;
	v44 =	vld.idx.msk [tilespmem:v0+s13+$0x0], $0xffff  }
0x215: {  	v54 =	vor.u32 $0x6, v0;
	v31 =	vor.u32 v1, v26;
	v26 =	vld.idx.msk [tilespmem:v7+s13+$0x0], $0xffff;
	[tilespmem:s24+$0x1A00] =	vst v29  }
0x216: {  	v55 =	vor.u32 $0x7, v0;
	[tilespmem:s24+$0x1C00] =	vst v2  }
0x217: {  	[tilespmem:s24+$0x1E00] =	vst v22  }
0x218: {  	v3 =	vmov v25;
	v25 =	vor.u32 $0x1, v31;
	v49 =	vld.idx.msk [tilespmem:v49+s13+$0x0], $0xffff  }
0x219: {  	[tilespmem:s26+$0x1210] =	vst v36;
	v7 =	vmov v23;
	v23 =	vor.u32 $0x2, v31;
	v53 =	vld.idx.msk [tilespmem:v53+s13+$0x0], $0xffff  }
0x21a: {  	[tilespmem:s26+$0x1010] =	vst v35;
	v28 =	vor.u32 $0x3, v31;
	v54 =	vld.idx.msk [tilespmem:v54+s13+$0x0], $0xffff  }
0x21b: {  	[tilespmem:s26+$0x1410] =	vst v37;
	v33 =	vor.u32 $0x4, v31;
	v55 =	vld.idx.msk [tilespmem:v55+s13+$0x0], $0xffff  }
0x21c: {  	v57 =	vor.u32 $0x5, v31;
	v56 =	vld.idx.msk [tilespmem:v31+s13+$0x0], $0xffff;
	[tilespmem:s26+$0x1610] =	vst v45  }
0x21d: {  	v58 =	vor.u32 $0x7, v31;
	v45 =	vld.idx.msk [tilespmem:v25+s13+$0x0], $0xffff;
	[tilespmem:s26+$0x1810] =	vst v46  }
0x21e: {  	v25 =	vor.u32 $0x6, v31;
	v46 =	vld.idx.msk [tilespmem:v23+s13+$0x0], $0xffff;
	[tilespmem:s26+$0x1A10] =	vst v47  }
0x21f: {  	v50 =	vor.u32 $0x2, v0;
	v60 =	vld.idx.msk [tilespmem:v28+s13+$0x0], $0xffff;
	[tilespmem:s26+$0x1C10] =	vst v48  }
0x220: {  	v51 =	vor.u32 $0x3, v0;
	v63 =	vld.idx.msk [tilespmem:v33+s13+$0x0], $0xffff  }
0x221: {  	v52 =	vor.u32 $0x4, v0;
	v57 =	vld.idx.msk [tilespmem:v57+s13+$0x0], $0xffff  }
0x222: {  	s24 =	smov.u32 s25;
	s25 =	smov.u32 s26;
	s26 =	sadd.s32 $0x20, s26;
	v22 =	vld.idx.msk [tilespmem:v58+s13+$0x0], $0xffff  }
0x223: {  	v27 =	vld.idx.msk [tilespmem:v25+s13+$0x0], $0xffff;
	[tilespmem:s26+$0xFFFFE010] =	vst v56  }
0x224: {  	[tilespmem:s26+$0xFFFFE210] =	vst v45;
	v45 =	vld.idx.msk [tilespmem:v50+s13+$0x0], $0xffff  }
0x225: {  	[tilespmem:s26+$0xFFFFE410] =	vst v46;
	v46 =	vld.idx.msk [tilespmem:v51+s13+$0x0], $0xffff  }
0x226: {  	v51 =	vld.idx.msk [tilespmem:v52+s13+$0x0], $0xffff;
	[tilespmem:s26+$0xFFFFE200] =	vst v49  }
0x227: {  	[tilespmem:s26+$0xFFFFEA00] =	vst v53  }
0x228: {  	[tilespmem:s26+$0xFFFFEC00] =	vst v54  }
0x229: {  	[tilespmem:s26+$0xFFFFEE00] =	vst v55  }
0x22a: {  	[tilespmem:s26+$0xFFFFE610] =	vst v60  }
0x22b: {  	v50 =	vor.u32 $0x8, v31;
	[tilespmem:s26+$0xFFFFE810] =	vst v63  }
0x22c: {  	v60 =	vor.u32 $0x9, v31;
	[tilespmem:s26+$0xFFFFEA10] =	vst v57  }
0x22d: {  	[tilespmem:s26+$0xFFFFEE10] =	vst v22  }
0x22e: {  	[tilespmem:s26+$0xFFFFEC10] =	vst v27  }
0x22f: {  	[tilespmem:s26+$0xFFFFE400] =	vst v45  }
0x230: {  	v63 =	vor.u32 $0xA, v31;
	v49 =	vld.idx.msk [tilespmem:v50+s13+$0x0], $0xffff;
	[tilespmem:s26+$0xFFFFE600] =	vst v46  }
0x231: {  	v22 =	vor.u32 $0xC, v31;
	[tilespmem:s26+$0xFFFFE800] =	vst v51;
	v45 =	vld.idx.msk [tilespmem:v60+s13+$0x0], $0xffff  }
0x232: {  	v27 =	vor.u32 $0xB, v31;
	v57 =	vld.idx.msk [tilespmem:v14+s13+$0x0], $0xffff  }
0x233: {  	v50 =	vor.u32 $0xD, v31;
	v53 =	vld.idx.msk [tilespmem:v12+s13+$0x0], $0xffff  }
0x234: {  	v60 =	vor.u32 $0xE, v31;
	v54 =	vld.idx.msk [tilespmem:v15+s13+$0x0], $0xffff  }
0x235: {  	v46 =	vld.idx.msk [tilespmem:v63+s13+$0x0], $0xffff;
	v63 =	vor.u32 $0xF, v31  }
0x236: {  	v22 =	vld.idx.msk [tilespmem:v22+s13+$0x0], $0xffff  }
0x237: {  	v27 =	vld.idx.msk [tilespmem:v27+s13+$0x0], $0xffff  }
0x238: {  	v50 =	vld.idx.msk [tilespmem:v50+s13+$0x0], $0xffff  }
0x239: {  	v51 =	vld.idx.msk [tilespmem:v60+s13+$0x0], $0xffff  }
0x23a: {  	v60 =	vld.idx.msk [tilespmem:v63+s13+$0x0], $0xffff;
	[tilespmem:s26+$0xFFFFF010] =	vst v49  }
0x23b: {  	[tilespmem:s26+$0xFFFFF210] =	vst v45;
	v45 =	vld.idx.msk [tilespmem:v16+s13+$0x0], $0xffff  }
0x23c: {  	v47 =	vor.u32 $0x12, v0;
	[tilespmem:s26+$0xFFFFF410] =	vst v46;
	v46 =	vld.idx.msk [tilespmem:v13+s13+$0x0], $0xffff  }
0x23d: {  	v16 =	vmov v47;
	v47 =	vld.idx.msk [tilespmem:v17+s13+$0x0], $0xffff;
	[tilespmem:s26+$0xFFFFF810] =	vst v22  }
0x23e: {  	v22 =	vld.idx.msk [tilespmem:v4+s13+$0x0], $0xffff;
	[tilespmem:s26+$0xFFFFE000] =	vst v44  }
0x23f: {  	v63 =	vor.u32 $0x11, v31;
	[tilespmem:s25+$0x0] =	vst v42  }
0x240: {  	v59 =	vor.u32 $0x13, v0;
	v58 =	vor.u32 $0x12, v31;
	[tilespmem:s26+$0xFFFFF610] =	vst v27  }
0x241: {  	v39 =	vor.u32 $0xA, v0;
	v1 =	vor.u32 $0x17, v0;
	v13 =	vmovc v59;
	v59 =	vor.u32 $0x13, v31;
	[tilespmem:s26+$0xFFFFFA10] =	vst v50  }
0x242: {  	v40 =	vor.u32 $0xB, v0;
	v61 =	vor.u32 $0x15, v0;
	v15 =	vmovc v1;
	v1 =	vor.u32 $0x14, v31;
	[tilespmem:s26+$0xFFFFFC10] =	vst v51  }
0x243: {  	v36 =	vor.u32 $0xC, v0;
	v37 =	vor.u32 $0xD, v0;
	v14 =	vmovc v61;
	v61 =	vor.u32 $0x16, v31;
	[tilespmem:s26+$0xFFFFFE10] =	vst v60  }
0x244: {  	v35 =	vor.u32 $0xE, v0;
	v62 =	vor.u32 $0x16, v0;
	v41 =	vor.u32 $0x9, v0;
	[tilespmem:s25+$0x200] =	vst v43;
	v60 =	vld.idx.msk [tilespmem:v63+s13+$0x0], $0xffff  }
0x245: {  	v34 =	vor.u32 $0x18, v0;
	v38 =	vor.u32 $0x8, v0;
	v12 =	vmovc v62;
	[tilespmem:s25+$0xA00] =	vst v57;
	v27 =	vor.u32 $0x10, v31;
	v62 =	vld.idx.msk [tilespmem:v58+s13+$0x0], $0xffff  }
0x246: {  	v32 =	vor.u32 $0xF, v0;
	v20 =	vor.u32 $0x10, v0;
	v21 =	vor.u32 $0x11, v0;
	[tilespmem:s25+$0x400] =	vst v45;
	v52 =	vld.idx.msk [tilespmem:v59+s13+$0x0], $0xffff  }
0x247: {  	v29 =	vmovc v24;
	v24 =	vor.u32 $0x1C, v0;
	v2 =	vmovc v26;
	v26 =	vor.u32 $0x1B, v0;
	v23 =	vor.u32 $0x1E, v0;
	[tilespmem:s25+$0x600] =	vst v46;
	v1 =	vld.idx.msk [tilespmem:v1+s13+$0x0], $0xffff  }
0x248: {  	v48 =	vor.u32 $0x14, v0;
	v28 =	vor.u32 $0x1A, v0;
	v33 =	vor.u32 $0x19, v0;
	[tilespmem:s25+$0x800] =	vst v47;
	v55 =	vld.idx.msk [tilespmem:v61+s13+$0x0], $0xffff  }
0x249: {  	v25 =	vor.u32 $0x1D, v0;
	v0 =	vor.u32 $0x1F, v0;
	v63 =	vor.u32 $0x17, v31;
	v57 =	vld.idx.msk [tilespmem:v41+s13+$0x0], $0xffff  }
0x24a: {  	v4 =	vmov v9;
	v9 =	vmov v0;
	v0 =	vld.idx.msk [tilespmem:v27+s13+$0x0], $0xffff;
	v27 =	vor.u32 $0x15, v31  }
0x24b: {  	v58 =	vld.idx.msk [tilespmem:v39+s13+$0x0], $0xffff  }
0x24c: {  	v39 =	vld.idx.msk [tilespmem:v40+s13+$0x0], $0xffff  }
0x24d: {  	v40 =	vld.idx.msk [tilespmem:v36+s13+$0x0], $0xffff  }
0x24e: {  	v56 =	vld.idx.msk [tilespmem:v63+s13+$0x0], $0xffff  }
0x24f: {  	v27 =	vld.idx.msk [tilespmem:v27+s13+$0x0], $0xffff;
	[tilespmem:s26+$0x10] =	vst v0  }
0x250: {  	v41 =	vld.idx.msk [tilespmem:v37+s13+$0x0], $0xffff;
	[tilespmem:s26+$0x210] =	vst v60  }
0x251: {  	v0 =	vld.idx.msk [tilespmem:v38+s13+$0x0], $0xffff;
	[tilespmem:s26+$0x410] =	vst v62  }
0x252: {  	[tilespmem:s26+$0x610] =	vst v52;
	v38 =	vld.idx.msk [tilespmem:v35+s13+$0x0], $0xffff  }
0x253: {  	[tilespmem:s24+$0x1000] =	vst v18;
	v18 =	vld [tilespmem:$0x1FFB0]  }
0x254: {  	v59 =	vor.u32 $0x18, v31;
	[tilespmem:s26+$0x810] =	vst v1  }
0x255: {  	v1 =	vor.u32 $0x1F, v31;
	[tilespmem:s26+$0xC10] =	vst v55  }
0x256: {  	v60 =	vor.u32 $0x1A, v31;
	[tilespmem:s26+$0xE10] =	vst v56  }
0x257: {  	v61 =	vor.u32 $0x1B, v31;
	[tilespmem:s26+$0xA10] =	vst v27  }
0x258: {  	v62 =	vor.u32 $0x1C, v31;
	[tilespmem:s24+$0x1400] =	vst v18;
	v18 =	vld [tilespmem:$0x1FFC0]  }
0x259: {  	v63 =	vor.u32 $0x1D, v31;
	v35 =	vld.idx.msk [tilespmem:v59+s13+$0x0], $0xffff  }
0x25a: {  	v27 =	vor.u32 $0x19, v31;
	v1 =	vld.idx.msk [tilespmem:v1+s13+$0x0], $0xffff  }
0x25b: {  	[tilespmem:s25+$0xC00] =	vst v53;
	v37 =	vld.idx.msk [tilespmem:v60+s13+$0x0], $0xffff  }
0x25c: {  	[tilespmem:s25+$0xE00] =	vst v54;
	v45 =	vld.idx.msk [tilespmem:v61+s13+$0x0], $0xffff  }
0x25d: {  	[tilespmem:s24+$0x1200] =	vst v19;
	v46 =	vld.idx.msk [tilespmem:v62+s13+$0x0], $0xffff  }
0x25e: {  	s28 =	sadd.s32 $0x2, s28;
	[tilespmem:s24+$0x1800] =	vst v30;
	v47 =	vld.idx.msk [tilespmem:v63+s13+$0x0], $0xffff  }
0x25f: {  	p0 =	slt.u32 s28, $0x1E;
	v36 =	vld.idx.msk [tilespmem:v27+s13+$0x0], $0xffff;
	v27 =	vor.u32 $0x1E, v31;
	[tilespmem:s24+$0x1600] =	vst v18  }
.Ltmp1:
0x260: {  	v32 =	vld.idx.msk [tilespmem:v32+s13+$0x0], $0xffff;
	[tilespmem:s26+$0xFFFFF000] =	vst v0;
	(pc) =	sbr.rel @p0 .LBB2_5-.Ltmp1, $4  }
0x261: {  	v31 =	vld [tilespmem:$0x1FFF0];
	[tilespmem:s26+$0xFFFFF200] =	vst v57  }
0x262: {  	v18 =	vld.idx.msk [tilespmem:v11+s13+$0x0], $0xffff;
	[tilespmem:s26+$0xFFFFF400] =	vst v58  }
0x263: {  	v19 =	vld.idx.msk [tilespmem:v10+s13+$0x0], $0xffff  }
0x264: {  	s29 =	sadd.s32 $0x20, s29;
	v17 =	vmov v48;
	v11 =	vmov v34;
	v10 =	vmov v33;
	v48 =	vld.idx.msk [tilespmem:v27+s13+$0x0], $0xffff;
	[tilespmem:s26+$0x1E10] =	vst v1  }
0x265: {  	_ = 	snop  }
0x266: {  	[tilespmem:s26+$0xFFFFF600] =	vst v39  }
0x267: {  	[tilespmem:s26+$0xFFFFF800] =	vst v40  }
0x268: {  	[tilespmem:s26+$0xFFFFFA00] =	vst v41  }
0x269: {  	[tilespmem:s26+$0xFFFFFC00] =	vst v38;
	v51 =	vld.idx.msk [tilespmem:v5+s13+$0x0], $0xffff  }
0x26a: {  	[tilespmem:s26+$0xFFFFFE00] =	vst v32;
	v52 =	vld.idx.msk [tilespmem:v8+s13+$0x0], $0xffff  }
0x26b: {  	[tilespmem:s26+$0x1010] =	vst v35;
	v53 =	vld.idx.msk [tilespmem:v6+s13+$0x0], $0xffff  }
0x26c: {  	[tilespmem:s26+$0x1210] =	vst v36;
	v3 =	vld.idx.msk [tilespmem:v3+s13+$0x0], $0xffff  }
0x26d: {  	[tilespmem:s26+$0x1410] =	vst v37;
	v54 =	vld.idx.msk [tilespmem:v7+s13+$0x0], $0xffff  }
0x26e: {  	[tilespmem:s26+$0x1610] =	vst v45;
	v55 =	vld.idx.msk [tilespmem:v4+s13+$0x0], $0xffff  }
0x26f: {  	[tilespmem:s26+$0x1810] =	vst v46;
	v0 =	vld.idx.msk [tilespmem:v20+s13+$0x0], $0xffff  }
0x270: {  	[tilespmem:s26+$0x1A10] =	vst v47;
	v1 =	vld.idx.msk [tilespmem:v21+s13+$0x0], $0xffff  }
0x271: {  	[tilespmem:s24+$0x1A00] =	vst v29;
	v16 =	vld.idx.msk [tilespmem:v16+s13+$0x0], $0xffff  }
0x272: {  	[tilespmem:s24+$0x1C00] =	vst v2;
	v13 =	vld.idx.msk [tilespmem:v13+s13+$0x0], $0xffff  }
0x273: {  	[tilespmem:s24+$0x1E00] =	vst v22;
	v17 =	vld.idx.msk [tilespmem:v17+s13+$0x0], $0xffff  }
0x274: {  	v14 =	vld.idx.msk [tilespmem:v14+s13+$0x0], $0xffff;
	[tilespmem:s25+$0x1000] =	vst v18  }
0x275: {  	v49 =	vld.idx.msk [tilespmem:v12+s13+$0x0], $0xffff;
	[tilespmem:s25+$0x1200] =	vst v19  }
0x276: {  	v50 =	vld.idx.msk [tilespmem:v15+s13+$0x0], $0xffff;
	[tilespmem:s26+$0x0] =	vst v0  }
0x277: {  	[tilespmem:s26+$0x200] =	vst v1  }
0x278: {  	[tilespmem:s26+$0x400] =	vst v16  }
0x279: {  	[tilespmem:s26+$0x600] =	vst v13  }
0x27a: {  	[tilespmem:s26+$0x800] =	vst v17  }
0x27b: {  	[tilespmem:s26+$0xA00] =	vst v14  }
0x27c: {  	[tilespmem:s26+$0xC00] =	vst v49  }
0x27d: {  	[tilespmem:s26+$0xE00] =	vst v50  }
0x27e: {  	[tilespmem:s26+$0x1C10] =	vst v48;
	v56 =	vld.idx.msk [tilespmem:v11+s13+$0x0], $0xffff  }
0x27f: {  	[tilespmem:s25+$0x1400] =	vst v51;
	v57 =	vld.idx.msk [tilespmem:v10+s13+$0x0], $0xffff  }
0x280: {  	[tilespmem:s25+$0x1600] =	vst v52;
	v58 =	vld.idx.msk [tilespmem:v28+s13+$0x0], $0xffff  }
0x281: {  	[tilespmem:s25+$0x1800] =	vst v53;
	v59 =	vld.idx.msk [tilespmem:v26+s13+$0x0], $0xffff  }
0x282: {  	[tilespmem:s25+$0x1A00] =	vst v3;
	v60 =	vld.idx.msk [tilespmem:v24+s13+$0x0], $0xffff  }
0x283: {  	[tilespmem:s25+$0x1C00] =	vst v54;
	v61 =	vld.idx.msk [tilespmem:v25+s13+$0x0], $0xffff  }
0x284: {  	[tilespmem:s25+$0x1E00] =	vst v55;
	v62 =	vld.idx.msk [tilespmem:v23+s13+$0x0], $0xffff  }
0x285: {  	v63 =	vld.idx.msk [tilespmem:v9+s13+$0x0], $0xffff;
	[tilespmem:s26+$0x1000] =	vst v56  }
0x286: {  	[tilespmem:s26+$0x1200] =	vst v57  }
0x287: {  	[tilespmem:s26+$0x1400] =	vst v58  }
0x288: {  	[tilespmem:s26+$0x1600] =	vst v59  }
0x289: {  	s21 =	sadd.s32 $0x1, s21;
	[tilespmem:s26+$0x1800] =	vst v60  }
0x28a: {  	p0 =	sne.s32 s21, $0x19;
	[tilespmem:s26+$0x1A00] =	vst v61  }
.Ltmp2:
0x28b: {  	[tilespmem:s26+$0x1C00] =	vst v62;
	(pc) =	sbr.rel @p0 .LBB2_2-.Ltmp2, $4  }
0x28c: {  	s22 =	sadd.s32 @!p1 $0x600, s22;
	s24 =	simm.s32 @!p1 $0x200;
	s25 =	simm.s32 @!p1 $0xA400;
	[tilespmem:s26+$0x1E00] =	vst v63  }
0x28d: {  	[tilespmem:s25], [sflag:$0x2] =	stream.indirect.gather @!p1 [hbm4b:s3+s24], $0x20, s22, s24, $0xb8;
	[tilespmem:$0x16400] =	vst v63  }
0x28e: {  	s31 =	sadd.s32 s23, s7  }
0x28f: {  	[hbm4b:s31+s9] =	stream.strided.scatter [tilespmem:s17], [sflag:$0x4], $0x4000, s10, s9, $0x38;
	[tilespmem:$0x16400] =	vst v63  }
0x290: {  	s20 =	sadd.s32 $0x1, s20  }
0x291: {  	_ =	swait.ge [sflag:s18], $0x4000;
	p0 =	sne.s32 s20, s8  }
.Ltmp3:
0x292: {  	[sflag:s18] =	ssyncset.done $0x0;
	(pc) =	sbr.rel @p0 .LBB2_1-.Ltmp3, $4  }
0x293: {  	[sflag:s18] =	ssyncadd.s32 $0xFFFFC000  }
0x294: {  	_ =	swait.ge [sflag:s19], $0x4000  }
0x295: {  	[sflag:s19] =	ssyncset.done $0x0  }
0x296: {  	[sflag:s19] =	ssyncadd.s32 $0xFFFFC000  }
0x297: {  	_ =	sfence.sel $0x180000  }
0x298: {  	[bflag:$0x0] =	sbarrier.arrive $0xFFFF  }
0x299: {  	p0 =	sne.s32 s1, $0x0;
	_ =	strace $0x90000047  }
0x29a: {  	s0 =	sadd.s32 @!p0 $0x100000, s0;
	[bflag:$0x2] =	sbarrier.arrive $0xFFFF  }
0x29b: {  	[sflag:s0] =	ssyncadd.tile.s32 @!p0 $0x1;
	_ =	shalt  }
.Lfunc_end2:
_tile_overlayer_lowered:
.L_overlay_start_2:
0x29c: {  	(tag) =	ssettag $0x2  }
0x29d: {  	s0 =	rddreg [dreg:$0x0];
	s2 =	stileid.u32  }
0x29e: {  	s1 =	rddreg [dreg:$0x1];
	p0 =	sne.s32 s2, $0x0  }
0x29f: {  	s3 =	rddreg [dreg:$0x2];
	[bflag:$0x3] =	sbarrier.arrive $0xFFFF;
	s2 =	simm.s32 @!p0 $0x1C05  }
0x2a0: {  	[timem:s3], [sflag:s2] =	dma.local @!p0 [hbm:s0], s1  }
0x2a1: {  	s0 =	simm.s32 @!p0 $0x5  }
0x2a2: {  	_ =	swait.ge @!p0 [sflag:s0], s1  }
0x2a3: {  	s1 =	ssub.s32 @!p0 $0x0, s1;
	[sflag:s0] =	ssyncset.done @!p0 $0x0  }
0x2a4: {  	[sflag:s0] =	ssyncadd.s32 @!p0 s1  }
0x2a5: {  	[bflag:$0x3] =	sbarrier.arrive $0xFFFF  }
0x2a6: {  	_ =	shalt  }

</sc_bundles>
